<compile_context>
chip_gen: v7x
topology: tpu7x:2x2x1
jax: 0.10.2.dev20260603
libtpu: 0.0.44.dev20260713+nightly
codegen_flags: <defaults>
</compile_context>

<pallas_src>
import functools

import jax
import jax.numpy as jnp
from jax import lax
from jax.experimental import pallas as pl
from jax.experimental.pallas import tpu as pltpu, tpu_sc as plsc

N_FIELDS = 26
VOCAB = 100000
EMBED = 32
BATCH = 16384

_INFO = plsc.get_sparse_core_info()
_NC, _NS = _INFO.num_cores, _INFO.num_subcores
_NW = _NC * _NS
_BPW = BATCH // _NW
_NG = 4
_GSZ = _BPW // _NG


def _body(ids_hbm, tab_hbm, out_hbm, idx_v, e0_v, e1_v, t0, t1, t2, t3,
          isem, gsem0, gsem1, wsem0, wsem1, wsem2, wsem3):
    wid = lax.axis_index("s") * _NC + lax.axis_index("c")
    base = wid * _BPW

    def fire_ids(f, _):
        for g in range(_NG):
            pltpu.async_copy(
                ids_hbm.at[pl.ds(f * BATCH + base + g * _GSZ, _GSZ)],
                idx_v.at[f, g],
                isem,
            )
        return 0

    lax.fori_loop(0, N_FIELDS, fire_ids, 0)

    def drain_ids(t, _):
        pltpu.make_async_copy(
            ids_hbm.at[pl.ds(0, _GSZ)], idx_v.at[0, 0], isem
        ).wait()
        return 0

    lax.fori_loop(0, N_FIELDS * _NG, drain_ids, 0)

    def build_eidx(f, e_v):
        def per_eg(t, _):
            e = t // _NG
            g = t - e * _NG
            off = (f * EMBED + e) * VOCAB
            for u in range(_GSZ // 16):
                src = pl.ds(u * 16, 16)
                dst = pl.ds(g * _GSZ + u * 16, 16)
                e_v[e, dst] = idx_v[f, g, src] + off
            return 0

        lax.fori_loop(0, EMBED * _NG, per_eg, 0)

    def fire_field(e_v, t_v, gsem):
        def fire_e(e, _):
            pltpu.async_copy(
                tab_hbm.at[e_v.at[e]],
                t_v.at[e],
                gsem,
            )
            return 0

        lax.fori_loop(0, EMBED, fire_e, 0)

    def drain_field(gsem):
        pltpu.make_async_copy(
            out_hbm.at[pl.ds(0, EMBED), pl.ds(0, _BPW)], t0, gsem
        ).wait()

    def reclaim(t_v, wsem):
        pltpu.make_async_copy(
            t_v, out_hbm.at[pl.ds(0, EMBED), pl.ds(base, _BPW)], wsem
        ).wait()

    def write_field(f, t_v, wsem):
        pltpu.async_copy(
            t_v, out_hbm.at[pl.ds(f * EMBED, EMBED), pl.ds(base, _BPW)], wsem
        )

    ts = (t0, t1, t2, t3)
    ws = (wsem0, wsem1, wsem2, wsem3)
    gs = (gsem0, gsem1)
    es = (e0_v, e1_v)

    build_eidx(0, e0_v)
    fire_field(e0_v, t0, gsem0)
    build_eidx(1, e1_v)
    fire_field(e1_v, t1, gsem1)

    def quad(q, _):
        f_base = 4 * q
        for k in range(4):
            f = f_base + k
            drain_field(gs[k % 2])

            @pl.when(f + 2 < N_FIELDS)
            def _():
                build_eidx(f + 2, es[k % 2])

                @pl.when(f >= 2)
                def _():
                    reclaim(ts[(k + 2) % 4], ws[(k + 2) % 4])

                fire_field(es[k % 2], ts[(k + 2) % 4], gs[k % 2])

            write_field(f, ts[k], ws[k])
        return 0

    lax.fori_loop(0, N_FIELDS // 4, quad, 0)

    drain_field(gsem0)
    write_field(N_FIELDS - 2, t0, wsem0)
    drain_field(gsem1)
    write_field(N_FIELDS - 1, t1, wsem1)

    for k in range(4):
        reclaim(ts[k], ws[k])


@functools.partial(jax.jit, static_argnums=())
def kernel(ids, tables):
    ids_flat = ids.reshape(N_FIELDS * BATCH)
    tab = tables.transpose(0, 2, 1).reshape(N_FIELDS * EMBED * VOCAB)
    run = pl.kernel(
        _body,
        out_type=jax.ShapeDtypeStruct((N_FIELDS * EMBED, BATCH), jnp.float32),
        mesh=plsc.VectorSubcoreMesh(core_axis_name="c", subcore_axis_name="s"),
        scratch_types=[
            pltpu.VMEM((N_FIELDS, _NG, _GSZ), jnp.int32),
            pltpu.VMEM((EMBED, _BPW), jnp.int32),
            pltpu.VMEM((EMBED, _BPW), jnp.int32),
            pltpu.VMEM((EMBED, _BPW), jnp.float32),
            pltpu.VMEM((EMBED, _BPW), jnp.float32),
            pltpu.VMEM((EMBED, _BPW), jnp.float32),
            pltpu.VMEM((EMBED, _BPW), jnp.float32),
            pltpu.SemaphoreType.DMA,
            pltpu.SemaphoreType.DMA,
            pltpu.SemaphoreType.DMA,
            pltpu.SemaphoreType.DMA,
            pltpu.SemaphoreType.DMA,
            pltpu.SemaphoreType.DMA,
            pltpu.SemaphoreType.DMA,
        ],
        compiler_params=pltpu.CompilerParams(use_tc_tiling_on_sc=False),
    )
    return run(ids_flat, tab).T

# --- scband reference (transcript-rebuilt; emitter-appended) ---
"""Pipeline reference for scband-ad-embedder-18494129177004 (READ-ONLY COPY).

The authoritative reference and input builder live on the scoring server;
editing this copy changes nothing except your own understanding.
"""

import jax, jax.numpy as jnp
import numpy as np

N_FIELDS = 26
VOCAB = 100000
EMBED = 32
BATCH = 16384


def setup_inputs(seed: int = 0) -> dict:
    key = jax.random.key(seed)
    k1, k2 = jax.random.split(key)
    # batch of categorical ids: one row per sparse field (AdBatch fields)
    ids = jax.random.randint(k1, (N_FIELDS, BATCH), 0, VOCAB, dtype=jnp.int32)
    # stacked embedding tables, one per field (nn.Embedding weights)
    tables = jax.random.normal(k2, (N_FIELDS, VOCAB, EMBED), dtype=jnp.float32) * 0.05
    return {"ids": ids, "tables": tables}


def reference(ids, tables):
    # Per-field embedding lookup: tables[f][ids[f]] for each field f,
    # then concatenate along the last (feature) axis, matching torch.cat(x, axis=-1).
    gathered = jax.vmap(lambda t, i: jnp.take(t, i, axis=0))(tables, ids)  # [F, B, D]
    out = jnp.transpose(gathered, (1, 0, 2)).reshape(gathered.shape[1], N_FIELDS * EMBED)
    return out

if __name__ == "__main__":
    import jax
    _d = setup_inputs()
    print(jax.jit(kernel)(*tuple(_d.values())))

</pallas_src>

<mosaic_0001>
#map = affine_map<(d0, d1) -> (0)>
#map1 = affine_map<(d0, d1) -> (0, 0)>
module attributes {stable_mosaic.version = 14 : i64} {
  func.func @_body(%arg0: i32, %arg1: i32, %arg2: memref<425984xi32, #tpu.memory_space<hbm>>, %arg3: memref<83200000xf32, #tpu.memory_space<hbm>>, %arg4: memref<832x16384xf32, #tpu.memory_space<hbm>>, %arg5: memref<26x4x128xi32, #tpu.memory_space<vmem>>, %arg6: memref<32x512xi32, #tpu.memory_space<vmem>>, %arg7: memref<32x512xi32, #tpu.memory_space<vmem>>, %arg8: memref<32x512xf32, #tpu.memory_space<vmem>>, %arg9: memref<32x512xf32, #tpu.memory_space<vmem>>, %arg10: memref<32x512xf32, #tpu.memory_space<vmem>>, %arg11: memref<32x512xf32, #tpu.memory_space<vmem>>, %arg12: memref<!tpu.dma_semaphore, #tpu.memory_space<semaphore_mem>>, %arg13: memref<!tpu.dma_semaphore, #tpu.memory_space<semaphore_mem>>, %arg14: memref<!tpu.dma_semaphore, #tpu.memory_space<semaphore_mem>>, %arg15: memref<!tpu.dma_semaphore, #tpu.memory_space<semaphore_mem>>, %arg16: memref<!tpu.dma_semaphore, #tpu.memory_space<semaphore_mem>>, %arg17: memref<!tpu.dma_semaphore, #tpu.memory_space<semaphore_mem>>, %arg18: memref<!tpu.dma_semaphore, #tpu.memory_space<semaphore_mem>>) attributes {dimension_semantics = [#tpu.dimension_semantics<core_parallel>, #tpu.dimension_semantics<subcore_parallel>], iteration_bounds = array<i64: 2, 16>, scalar_prefetch = 0 : i64, scratch_operands = 14 : i64, tpu.core_type = #tpu.core_type<sc_vector_subcore>, window_params = [{transform_indices = #map}, {transform_indices = #map}, {transform_indices = #map1}]} {
    %mul3A = arith.constant 2 : i32
    %mul3A_0 = arith.muli %arg1, %mul3A : i32
    %add3A = arith.addi %mul3A_0, %arg0 : i32
    %mul3A_1 = arith.constant 512 : i32
    %mul3A_2 = arith.muli %add3A, %mul3A_1 : i32
    %scan3A = arith.constant 0 : i32
    %scan3A_3 = arith.constant 0 : i32
    %scan3A_4 = arith.constant 26 : i32
    %scan3A_5 = arith.addi %scan3A_3, %scan3A_4 : i32
    %scan3A_6 = arith.constant 1 : i32
    %scan3A_7 = scf.for %scan3A_85 = %scan3A_3 to %scan3A_5 step %scan3A_6 iter_args(%scan3A_86 = %scan3A) -> (i32)  : i32 {
      %mul3A_87 = arith.constant 16384 : i32
      %mul3A_88 = arith.muli %scan3A_85, %mul3A_87 : i32
      %add3A_89 = arith.addi %mul3A_88, %mul3A_2 : i32
      %add3A_90 = arith.constant 0 : i32
      %add3A_91 = arith.addi %add3A_89, %add3A_90 : i32
      %dma_start3A_92 = arith.constant 0 : i32
      %dma_start3A_93 = arith.constant 0 : i32
      %dma_start3A_94 = tpu.memref_slice %arg5[%scan3A_85, %dma_start3A_92, %dma_start3A_93] : memref<26x4x128xi32, #tpu.memory_space<vmem>> -> memref<1x1x128xi32, #tpu.memory_space<vmem>>
      %dma_start3A_95 = tpu.memref_squeeze %dma_start3A_94 : memref<1x1x128xi32, #tpu.memory_space<vmem>> -> memref<128xi32, #tpu.memory_space<vmem>>
      %dma_start3A_96 = tpu.memref_slice %arg2[%add3A_91] : memref<425984xi32, #tpu.memory_space<hbm>> -> memref<128xi32, #tpu.memory_space<hbm>>
      %dma_start3A_97 = arith.constant 0 : i32
      %dma_start3A_98 = tpu.memref_slice %arg5[%scan3A_85, %dma_start3A_92, %dma_start3A_97] : memref<26x4x128xi32, #tpu.memory_space<vmem>> -> memref<1x1x128xi32, #tpu.memory_space<vmem>>
      %dma_start3A_99 = tpu.memref_squeeze %dma_start3A_98 : memref<1x1x128xi32, #tpu.memory_space<vmem>> -> memref<128xi32, #tpu.memory_space<vmem>>
      %dma_start3A_100 = tpu.memref_slice %arg2[%add3A_91] : memref<425984xi32, #tpu.memory_space<hbm>> -> memref<128xi32, #tpu.memory_space<hbm>>
      tpu.enqueue_dma source(%dma_start3A_100 : memref<128xi32, #tpu.memory_space<hbm>>) target(%dma_start3A_99 : memref<128xi32, #tpu.memory_space<vmem>>) target_semaphore(%arg12 : memref<!tpu.dma_semaphore, #tpu.memory_space<semaphore_mem>>)
      %mul3A_101 = arith.constant 16384 : i32
      %mul3A_102 = arith.muli %scan3A_85, %mul3A_101 : i32
      %add3A_103 = arith.addi %mul3A_102, %mul3A_2 : i32
      %add3A_104 = arith.constant 128 : i32
      %add3A_105 = arith.addi %add3A_103, %add3A_104 : i32
      %dma_start3A_106 = arith.constant 1 : i32
      %dma_start3A_107 = arith.constant 0 : i32
      %dma_start3A_108 = tpu.memref_slice %arg5[%scan3A_85, %dma_start3A_106, %dma_start3A_107] : memref<26x4x128xi32, #tpu.memory_space<vmem>> -> memref<1x1x128xi32, #tpu.memory_space<vmem>>
      %dma_start3A_109 = tpu.memref_squeeze %dma_start3A_108 : memref<1x1x128xi32, #tpu.memory_space<vmem>> -> memref<128xi32, #tpu.memory_space<vmem>>
      %dma_start3A_110 = tpu.memref_slice %arg2[%add3A_105] : memref<425984xi32, #tpu.memory_space<hbm>> -> memref<128xi32, #tpu.memory_space<hbm>>
      %dma_start3A_111 = arith.constant 0 : i32
      %dma_start3A_112 = tpu.memref_slice %arg5[%scan3A_85, %dma_start3A_106, %dma_start3A_111] : memref<26x4x128xi32, #tpu.memory_space<vmem>> -> memref<1x1x128xi32, #tpu.memory_space<vmem>>
      %dma_start3A_113 = tpu.memref_squeeze %dma_start3A_112 : memref<1x1x128xi32, #tpu.memory_space<vmem>> -> memref<128xi32, #tpu.memory_space<vmem>>
      %dma_start3A_114 = tpu.memref_slice %arg2[%add3A_105] : memref<425984xi32, #tpu.memory_space<hbm>> -> memref<128xi32, #tpu.memory_space<hbm>>
      tpu.enqueue_dma source(%dma_start3A_114 : memref<128xi32, #tpu.memory_space<hbm>>) target(%dma_start3A_113 : memref<128xi32, #tpu.memory_space<vmem>>) target_semaphore(%arg12 : memref<!tpu.dma_semaphore, #tpu.memory_space<semaphore_mem>>)
      %mul3A_115 = arith.constant 16384 : i32
      %mul3A_116 = arith.muli %scan3A_85, %mul3A_115 : i32
      %add3A_117 = arith.addi %mul3A_116, %mul3A_2 : i32
      %add3A_118 = arith.constant 256 : i32
      %add3A_119 = arith.addi %add3A_117, %add3A_118 : i32
      %dma_start3A_120 = arith.constant 2 : i32
      %dma_start3A_121 = arith.constant 0 : i32
      %dma_start3A_122 = tpu.memref_slice %arg5[%scan3A_85, %dma_start3A_120, %dma_start3A_121] : memref<26x4x128xi32, #tpu.memory_space<vmem>> -> memref<1x1x128xi32, #tpu.memory_space<vmem>>
      %dma_start3A_123 = tpu.memref_squeeze %dma_start3A_122 : memref<1x1x128xi32, #tpu.memory_space<vmem>> -> memref<128xi32, #tpu.memory_space<vmem>>
      %dma_start3A_124 = tpu.memref_slice %arg2[%add3A_119] : memref<425984xi32, #tpu.memory_space<hbm>> -> memref<128xi32, #tpu.memory_space<hbm>>
      %dma_start3A_125 = arith.constant 0 : i32
      %dma_start3A_126 = tpu.memref_slice %arg5[%scan3A_85, %dma_start3A_120, %dma_start3A_125] : memref<26x4x128xi32, #tpu.memory_space<vmem>> -> memref<1x1x128xi32, #tpu.memory_space<vmem>>
      %dma_start3A_127 = tpu.memref_squeeze %dma_start3A_126 : memref<1x1x128xi32, #tpu.memory_space<vmem>> -> memref<128xi32, #tpu.memory_space<vmem>>
      %dma_start3A_128 = tpu.memref_slice %arg2[%add3A_119] : memref<425984xi32, #tpu.memory_space<hbm>> -> memref<128xi32, #tpu.memory_space<hbm>>
      tpu.enqueue_dma source(%dma_start3A_128 : memref<128xi32, #tpu.memory_space<hbm>>) target(%dma_start3A_127 : memref<128xi32, #tpu.memory_space<vmem>>) target_semaphore(%arg12 : memref<!tpu.dma_semaphore, #tpu.memory_space<semaphore_mem>>)
      %mul3A_129 = arith.constant 16384 : i32
      %mul3A_130 = arith.muli %scan3A_85, %mul3A_129 : i32
      %add3A_131 = arith.addi %mul3A_130, %mul3A_2 : i32
      %add3A_132 = arith.constant 384 : i32
      %add3A_133 = arith.addi %add3A_131, %add3A_132 : i32
      %dma_start3A_134 = arith.constant 3 : i32
      %dma_start3A_135 = arith.constant 0 : i32
      %dma_start3A_136 = tpu.memref_slice %arg5[%scan3A_85, %dma_start3A_134, %dma_start3A_135] : memref<26x4x128xi32, #tpu.memory_space<vmem>> -> memref<1x1x128xi32, #tpu.memory_space<vmem>>
      %dma_start3A_137 = tpu.memref_squeeze %dma_start3A_136 : memref<1x1x128xi32, #tpu.memory_space<vmem>> -> memref<128xi32, #tpu.memory_space<vmem>>
      %dma_start3A_138 = tpu.memref_slice %arg2[%add3A_133] : memref<425984xi32, #tpu.memory_space<hbm>> -> memref<128xi32, #tpu.memory_space<hbm>>
      %dma_start3A_139 = arith.constant 0 : i32
      %dma_start3A_140 = tpu.memref_slice %arg5[%scan3A_85, %dma_start3A_134, %dma_start3A_139] : memref<26x4x128xi32, #tpu.memory_space<vmem>> -> memref<1x1x128xi32, #tpu.memory_space<vmem>>
      %dma_start3A_141 = tpu.memref_squeeze %dma_start3A_140 : memref<1x1x128xi32, #tpu.memory_space<vmem>> -> memref<128xi32, #tpu.memory_space<vmem>>
      %dma_start3A_142 = tpu.memref_slice %arg2[%add3A_133] : memref<425984xi32, #tpu.memory_space<hbm>> -> memref<128xi32, #tpu.memory_space<hbm>>
      tpu.enqueue_dma source(%dma_start3A_142 : memref<128xi32, #tpu.memory_space<hbm>>) target(%dma_start3A_141 : memref<128xi32, #tpu.memory_space<vmem>>) target_semaphore(%arg12 : memref<!tpu.dma_semaphore, #tpu.memory_space<semaphore_mem>>)
      %scan3A_143 = arith.constant 0 : i32
      scf.yield %scan3A_143 : i32
    }
    %scan3A_8 = arith.constant 26 : i32
    %scan3A_9 = arith.constant 0 : i32
    %scan3A_10 = arith.constant 0 : i32
    %scan3A_11 = arith.constant 104 : i32
    %scan3A_12 = arith.addi %scan3A_10, %scan3A_11 : i32
    %scan3A_13 = arith.constant 1 : i32
    %scan3A_14 = scf.for %scan3A_85 = %scan3A_10 to %scan3A_12 step %scan3A_13 iter_args(%scan3A_86 = %scan3A_9) -> (i32)  : i32 {
      %dma_wait3A_87 = arith.constant 0 : i32
      %dma_wait3A_88 = arith.constant 0 : i32
      %dma_wait3A_89 = arith.constant 0 : i32
      %dma_wait3A_90 = tpu.memref_slice %arg5[%dma_wait3A_87, %dma_wait3A_88, %dma_wait3A_89] : memref<26x4x128xi32, #tpu.memory_space<vmem>> -> memref<1x1x128xi32, #tpu.memory_space<vmem>>
      %dma_wait3A_91 = tpu.memref_squeeze %dma_wait3A_90 : memref<1x1x128xi32, #tpu.memory_space<vmem>> -> memref<128xi32, #tpu.memory_space<vmem>>
      %dma_wait3A_92 = arith.constant 0 : i32
      %dma_wait3A_93 = tpu.memref_slice %arg2[%dma_wait3A_92] : memref<425984xi32, #tpu.memory_space<hbm>> -> memref<128xi32, #tpu.memory_space<hbm>>
      %dma_wait3A_94 = arith.constant 0 : i32
      %dma_wait3A_95 = tpu.memref_slice %arg5[%dma_wait3A_87, %dma_wait3A_88, %dma_wait3A_94] : memref<26x4x128xi32, #tpu.memory_space<vmem>> -> memref<1x1x128xi32, #tpu.memory_space<vmem>>
      %dma_wait3A_96 = tpu.memref_squeeze %dma_wait3A_95 : memref<1x1x128xi32, #tpu.memory_space<vmem>> -> memref<128xi32, #tpu.memory_space<vmem>>
      %dma_wait3A_97 = arith.constant 0 : i32
      %dma_wait3A_98 = tpu.memref_slice %arg2[%dma_wait3A_97] : memref<425984xi32, #tpu.memory_space<hbm>> -> memref<128xi32, #tpu.memory_space<hbm>>
      tpu.wait_dma2 semaphore(%arg12 : memref<!tpu.dma_semaphore, #tpu.memory_space<semaphore_mem>>) src(%dma_wait3A_98 : memref<128xi32, #tpu.memory_space<hbm>>) dst(%dma_wait3A_96 : memref<128xi32, #tpu.memory_space<vmem>>)
      %scan3A_99 = arith.constant 0 : i32
      scf.yield %scan3A_99 : i32
    }
    %scan3A_15 = arith.constant 104 : i32
    %scan3A_16 = arith.constant 0 : i32
    %scan3A_17 = arith.constant 0 : i32
    %scan3A_18 = arith.constant 128 : i32
    %scan3A_19 = arith.addi %scan3A_17, %scan3A_18 : i32
    %scan3A_20 = arith.constant 1 : i32
    %scan3A_21 = scf.for %scan3A_85 = %scan3A_17 to %scan3A_19 step %scan3A_20 iter_args(%scan3A_86 = %scan3A_16) -> (i32)  : i32 {
      %jit3A = arith.constant 4 : i32
      %div3A = arith.divsi %scan3A_85, %jit3A : i32
      %sign3A = arith.constant 0 : i32
      %sign3A_87 = arith.cmpi sgt, %scan3A_85, %sign3A : i32
      %sign3A_88 = arith.extui %sign3A_87 : i1 to i32
      %sign3A_89 = arith.constant 0 : i32
      %sign3A_90 = arith.cmpi slt, %scan3A_85, %sign3A_89 : i32
      %sign3A_91 = arith.extui %sign3A_90 : i1 to i32
      %sign3A_92 = arith.subi %sign3A_88, %sign3A_91 : i32
      %sign3A_93 = arith.constant 0 : i32
      %sign3A_94 = arith.cmpi sgt, %jit3A, %sign3A_93 : i32
      %sign3A_95 = arith.extui %sign3A_94 : i1 to i32
      %sign3A_96 = arith.constant 0 : i32
      %sign3A_97 = arith.cmpi slt, %jit3A, %sign3A_96 : i32
      %sign3A_98 = arith.extui %sign3A_97 : i1 to i32
      %sign3A_99 = arith.subi %sign3A_95, %sign3A_98 : i32
      %ne3A = arith.cmpi ne, %sign3A_92, %sign3A_99 : i32
      %rem3A = arith.remsi %scan3A_85, %jit3A : i32
      %ne3A_100 = arith.constant 0 : i32
      %ne3A_101 = arith.cmpi ne, %rem3A, %ne3A_100 : i32
      %and3A = arith.andi %ne3A, %ne3A_101 : i1
      %sub3A = arith.constant 1 : i32
      %sub3A_102 = arith.subi %div3A, %sub3A : i32
      %select_n3A = arith.select %and3A, %sub3A_102, %div3A : i32
      %mul3A_103 = arith.constant 4 : i32
      %mul3A_104 = arith.muli %select_n3A, %mul3A_103 : i32
      %sub3A_105 = arith.subi %scan3A_85, %mul3A_104 : i32
      %add3A_106 = arith.constant 0 : i32
      %add3A_107 = arith.addi %add3A_106, %select_n3A : i32
      %mul3A_108 = arith.constant 100000 : i32
      %mul3A_109 = arith.muli %add3A_107, %mul3A_108 : i32
      %mul3A_110 = arith.constant 128 : i32
      %mul3A_111 = arith.muli %sub3A_105, %mul3A_110 : i32
      %add3A_112 = arith.constant 0 : i32
      %add3A_113 = arith.addi %mul3A_111, %add3A_112 : i32
      %get3A = arith.constant 0 : i32
      %get3A_114 = arith.index_cast %get3A : i32 to index
      %get3A_115 = arith.index_cast %sub3A_105 : i32 to index
      %get3A_116 = arith.constant 0 : index
      %get3A_117 = tpu.vector_load %arg5[%get3A_114, %get3A_115, %get3A_116] {strides = array<i32>} : memref<26x4x128xi32, #tpu.memory_space<vmem>>, vector<1x1x16xi32>,
      %get3A_118 = vector.shape_cast %get3A_117 : vector<1x1x16xi32> to vector<16xi32>
      %add3A_119 = vector.broadcast %mul3A_109 : i32 to vector<16xi32>
      %add3A_120 = arith.addi %get3A_118, %add3A_119 : vector<16xi32>
      %swap3A = arith.index_cast %select_n3A : i32 to index
      %swap3A_121 = arith.index_cast %add3A_113 : i32 to index
      %swap3A_122 = tpu.vector_load %arg6[%swap3A, %swap3A_121] {strides = array<i32>} : memref<32x512xi32, #tpu.memory_space<vmem>>, vector<1x16xi32>,
      %swap3A_123 = vector.shape_cast %swap3A_122 : vector<1x16xi32> to vector<16xi32>
      %swap3A_124 = vector.shape_cast %add3A_120 : vector<16xi32> to vector<1x16xi32>
      tpu.vector_store %arg6[%swap3A, %swap3A_121], %swap3A_124 {strides = array<i32>} : memref<32x512xi32, #tpu.memory_space<vmem>>, vector<1x16xi32>,
      %mul3A_125 = arith.constant 128 : i32
      %mul3A_126 = arith.muli %sub3A_105, %mul3A_125 : i32
      %add3A_127 = arith.constant 16 : i32
      %add3A_128 = arith.addi %mul3A_126, %add3A_127 : i32
      %get3A_129 = arith.constant 0 : i32
      %get3A_130 = arith.index_cast %get3A_129 : i32 to index
      %get3A_131 = arith.index_cast %sub3A_105 : i32 to index
      %get3A_132 = arith.constant 16 : index
      %get3A_133 = tpu.vector_load %arg5[%get3A_130, %get3A_131, %get3A_132] {strides = array<i32>} : memref<26x4x128xi32, #tpu.memory_space<vmem>>, vector<1x1x16xi32>,
      %get3A_134 = vector.shape_cast %get3A_133 : vector<1x1x16xi32> to vector<16xi32>
      %add3A_135 = vector.broadcast %mul3A_109 : i32 to vector<16xi32>
      %add3A_136 = arith.addi %get3A_134, %add3A_135 : vector<16xi32>
      %swap3A_137 = arith.index_cast %select_n3A : i32 to index
      %swap3A_138 = arith.index_cast %add3A_128 : i32 to index
      %swap3A_139 = tpu.vector_load %arg6[%swap3A_137, %swap3A_138] {strides = array<i32>} : memref<32x512xi32, #tpu.memory_space<vmem>>, vector<1x16xi32>,
      %swap3A_140 = vector.shape_cast %swap3A_139 : vector<1x16xi32> to vector<16xi32>
      %swap3A_141 = vector.shape_cast %add3A_136 : vector<16xi32> to vector<1x16xi32>
      tpu.vector_store %arg6[%swap3A_137, %swap3A_138], %swap3A_141 {strides = array<i32>} : memref<32x512xi32, #tpu.memory_space<vmem>>, vector<1x16xi32>,
      %mul3A_142 = arith.constant 128 : i32
      %mul3A_143 = arith.muli %sub3A_105, %mul3A_142 : i32
      %add3A_144 = arith.constant 32 : i32
      %add3A_145 = arith.addi %mul3A_143, %add3A_144 : i32
      %get3A_146 = arith.constant 0 : i32
      %get3A_147 = arith.index_cast %get3A_146 : i32 to index
      %get3A_148 = arith.index_cast %sub3A_105 : i32 to index
      %get3A_149 = arith.constant 32 : index
      %get3A_150 = tpu.vector_load %arg5[%get3A_147, %get3A_148, %get3A_149] {strides = array<i32>} : memref<26x4x128xi32, #tpu.memory_space<vmem>>, vector<1x1x16xi32>,
      %get3A_151 = vector.shape_cast %get3A_150 : vector<1x1x16xi32> to vector<16xi32>
      %add3A_152 = vector.broadcast %mul3A_109 : i32 to vector<16xi32>
      %add3A_153 = arith.addi %get3A_151, %add3A_152 : vector<16xi32>
      %swap3A_154 = arith.index_cast %select_n3A : i32 to index
      %swap3A_155 = arith.index_cast %add3A_145 : i32 to index
      %swap3A_156 = tpu.vector_load %arg6[%swap3A_154, %swap3A_155] {strides = array<i32>} : memref<32x512xi32, #tpu.memory_space<vmem>>, vector<1x16xi32>,
      %swap3A_157 = vector.shape_cast %swap3A_156 : vector<1x16xi32> to vector<16xi32>
      %swap3A_158 = vector.shape_cast %add3A_153 : vector<16xi32> to vector<1x16xi32>
      tpu.vector_store %arg6[%swap3A_154, %swap3A_155], %swap3A_158 {strides = array<i32>} : memref<32x512xi32, #tpu.memory_space<vmem>>, vector<1x16xi32>,
      %mul3A_159 = arith.constant 128 : i32
      %mul3A_160 = arith.muli %sub3A_105, %mul3A_159 : i32
      %add3A_161 = arith.constant 48 : i32
      %add3A_162 = arith.addi %mul3A_160, %add3A_161 : i32
      %get3A_163 = arith.constant 0 : i32
      %get3A_164 = arith.index_cast %get3A_163 : i32 to index
      %get3A_165 = arith.index_cast %sub3A_105 : i32 to index
      %get3A_166 = arith.constant 48 : index
      %get3A_167 = tpu.vector_load %arg5[%get3A_164, %get3A_165, %get3A_166] {strides = array<i32>} : memref<26x4x128xi32, #tpu.memory_space<vmem>>, vector<1x1x16xi32>,
      %get3A_168 = vector.shape_cast %get3A_167 : vector<1x1x16xi32> to vector<16xi32>
      %add3A_169 = vector.broadcast %mul3A_109 : i32 to vector<16xi32>
      %add3A_170 = arith.addi %get3A_168, %add3A_169 : vector<16xi32>
      %swap3A_171 = arith.index_cast %select_n3A : i32 to index
      %swap3A_172 = arith.index_cast %add3A_162 : i32 to index
      %swap3A_173 = tpu.vector_load %arg6[%swap3A_171, %swap3A_172] {strides = array<i32>} : memref<32x512xi32, #tpu.memory_space<vmem>>, vector<1x16xi32>,
      %swap3A_174 = vector.shape_cast %swap3A_173 : vector<1x16xi32> to vector<16xi32>
      %swap3A_175 = vector.shape_cast %add3A_170 : vector<16xi32> to vector<1x16xi32>
      tpu.vector_store %arg6[%swap3A_171, %swap3A_172], %swap3A_175 {strides = array<i32>} : memref<32x512xi32, #tpu.memory_space<vmem>>, vector<1x16xi32>,
      %mul3A_176 = arith.constant 128 : i32
      %mul3A_177 = arith.muli %sub3A_105, %mul3A_176 : i32
      %add3A_178 = arith.constant 64 : i32
      %add3A_179 = arith.addi %mul3A_177, %add3A_178 : i32
      %get3A_180 = arith.constant 0 : i32
      %get3A_181 = arith.index_cast %get3A_180 : i32 to index
      %get3A_182 = arith.index_cast %sub3A_105 : i32 to index
      %get3A_183 = arith.constant 64 : index
      %get3A_184 = tpu.vector_load %arg5[%get3A_181, %get3A_182, %get3A_183] {strides = array<i32>} : memref<26x4x128xi32, #tpu.memory_space<vmem>>, vector<1x1x16xi32>,
      %get3A_185 = vector.shape_cast %get3A_184 : vector<1x1x16xi32> to vector<16xi32>
      %add3A_186 = vector.broadcast %mul3A_109 : i32 to vector<16xi32>
      %add3A_187 = arith.addi %get3A_185, %add3A_186 : vector<16xi32>
      %swap3A_188 = arith.index_cast %select_n3A : i32 to index
      %swap3A_189 = arith.index_cast %add3A_179 : i32 to index
      %swap3A_190 = tpu.vector_load %arg6[%swap3A_188, %swap3A_189] {strides = array<i32>} : memref<32x512xi32, #tpu.memory_space<vmem>>, vector<1x16xi32>,
      %swap3A_191 = vector.shape_cast %swap3A_190 : vector<1x16xi32> to vector<16xi32>
      %swap3A_192 = vector.shape_cast %add3A_187 : vector<16xi32> to vector<1x16xi32>
      tpu.vector_store %arg6[%swap3A_188, %swap3A_189], %swap3A_192 {strides = array<i32>} : memref<32x512xi32, #tpu.memory_space<vmem>>, vector<1x16xi32>,
      %mul3A_193 = arith.constant 128 : i32
      %mul3A_194 = arith.muli %sub3A_105, %mul3A_193 : i32
      %add3A_195 = arith.constant 80 : i32
      %add3A_196 = arith.addi %mul3A_194, %add3A_195 : i32
      %get3A_197 = arith.constant 0 : i32
      %get3A_198 = arith.index_cast %get3A_197 : i32 to index
      %get3A_199 = arith.index_cast %sub3A_105 : i32 to index
      %get3A_200 = arith.constant 80 : index
      %get3A_201 = tpu.vector_load %arg5[%get3A_198, %get3A_199, %get3A_200] {strides = array<i32>} : memref<26x4x128xi32, #tpu.memory_space<vmem>>, vector<1x1x16xi32>,
      %get3A_202 = vector.shape_cast %get3A_201 : vector<1x1x16xi32> to vector<16xi32>
      %add3A_203 = vector.broadcast %mul3A_109 : i32 to vector<16xi32>
      %add3A_204 = arith.addi %get3A_202, %add3A_203 : vector<16xi32>
      %swap3A_205 = arith.index_cast %select_n3A : i32 to index
      %swap3A_206 = arith.index_cast %add3A_196 : i32 to index
      %swap3A_207 = tpu.vector_load %arg6[%swap3A_205, %swap3A_206] {strides = array<i32>} : memref<32x512xi32, #tpu.memory_space<vmem>>, vector<1x16xi32>,
      %swap3A_208 = vector.shape_cast %swap3A_207 : vector<1x16xi32> to vector<16xi32>
      %swap3A_209 = vector.shape_cast %add3A_204 : vector<16xi32> to vector<1x16xi32>
      tpu.vector_store %arg6[%swap3A_205, %swap3A_206], %swap3A_209 {strides = array<i32>} : memref<32x512xi32, #tpu.memory_space<vmem>>, vector<1x16xi32>,
      %mul3A_210 = arith.constant 128 : i32
      %mul3A_211 = arith.muli %sub3A_105, %mul3A_210 : i32
      %add3A_212 = arith.constant 96 : i32
      %add3A_213 = arith.addi %mul3A_211, %add3A_212 : i32
      %get3A_214 = arith.constant 0 : i32
      %get3A_215 = arith.index_cast %get3A_214 : i32 to index
      %get3A_216 = arith.index_cast %sub3A_105 : i32 to index
      %get3A_217 = arith.constant 96 : index
      %get3A_218 = tpu.vector_load %arg5[%get3A_215, %get3A_216, %get3A_217] {strides = array<i32>} : memref<26x4x128xi32, #tpu.memory_space<vmem>>, vector<1x1x16xi32>,
      %get3A_219 = vector.shape_cast %get3A_218 : vector<1x1x16xi32> to vector<16xi32>
      %add3A_220 = vector.broadcast %mul3A_109 : i32 to vector<16xi32>
      %add3A_221 = arith.addi %get3A_219, %add3A_220 : vector<16xi32>
      %swap3A_222 = arith.index_cast %select_n3A : i32 to index
      %swap3A_223 = arith.index_cast %add3A_213 : i32 to index
      %swap3A_224 = tpu.vector_load %arg6[%swap3A_222, %swap3A_223] {strides = array<i32>} : memref<32x512xi32, #tpu.memory_space<vmem>>, vector<1x16xi32>,
      %swap3A_225 = vector.shape_cast %swap3A_224 : vector<1x16xi32> to vector<16xi32>
      %swap3A_226 = vector.shape_cast %add3A_221 : vector<16xi32> to vector<1x16xi32>
      tpu.vector_store %arg6[%swap3A_222, %swap3A_223], %swap3A_226 {strides = array<i32>} : memref<32x512xi32, #tpu.memory_space<vmem>>, vector<1x16xi32>,
      %mul3A_227 = arith.constant 128 : i32
      %mul3A_228 = arith.muli %sub3A_105, %mul3A_227 : i32
      %add3A_229 = arith.constant 112 : i32
      %add3A_230 = arith.addi %mul3A_228, %add3A_229 : i32
      %get3A_231 = arith.constant 0 : i32
      %get3A_232 = arith.index_cast %get3A_231 : i32 to index
      %get3A_233 = arith.index_cast %sub3A_105 : i32 to index
      %get3A_234 = arith.constant 112 : index
      %get3A_235 = tpu.vector_load %arg5[%get3A_232, %get3A_233, %get3A_234] {strides = array<i32>} : memref<26x4x128xi32, #tpu.memory_space<vmem>>, vector<1x1x16xi32>,
      %get3A_236 = vector.shape_cast %get3A_235 : vector<1x1x16xi32> to vector<16xi32>
      %add3A_237 = vector.broadcast %mul3A_109 : i32 to vector<16xi32>
      %add3A_238 = arith.addi %get3A_236, %add3A_237 : vector<16xi32>
      %swap3A_239 = arith.index_cast %select_n3A : i32 to index
      %swap3A_240 = arith.index_cast %add3A_230 : i32 to index
      %swap3A_241 = tpu.vector_load %arg6[%swap3A_239, %swap3A_240] {strides = array<i32>} : memref<32x512xi32, #tpu.memory_space<vmem>>, vector<1x16xi32>,
      %swap3A_242 = vector.shape_cast %swap3A_241 : vector<1x16xi32> to vector<16xi32>
      %swap3A_243 = vector.shape_cast %add3A_238 : vector<16xi32> to vector<1x16xi32>
      tpu.vector_store %arg6[%swap3A_239, %swap3A_240], %swap3A_243 {strides = array<i32>} : memref<32x512xi32, #tpu.memory_space<vmem>>, vector<1x16xi32>,
      %scan3A_244 = arith.constant 0 : i32
      scf.yield %scan3A_244 : i32
    }
    %scan3A_22 = arith.constant 128 : i32
    %scan3A_23 = arith.constant 0 : i32
    %scan3A_24 = arith.constant 0 : i32
    %scan3A_25 = arith.constant 32 : i32
    %scan3A_26 = arith.addi %scan3A_24, %scan3A_25 : i32
    %scan3A_27 = arith.constant 1 : i32
    %scan3A_28 = scf.for %scan3A_85 = %scan3A_24 to %scan3A_26 step %scan3A_27 iter_args(%scan3A_86 = %scan3A_23) -> (i32)  : i32 {
      %dma_start3A_87 = arith.constant 0 : i32
      %dma_start3A_88 = tpu.memref_slice %arg8[%scan3A_85, %dma_start3A_87] : memref<32x512xf32, #tpu.memory_space<vmem>> -> memref<1x512xf32, #tpu.memory_space<vmem>>
      %dma_start3A_89 = tpu.memref_squeeze %dma_start3A_88 : memref<1x512xf32, #tpu.memory_space<vmem>> -> memref<512xf32, #tpu.memory_space<vmem>>
      %dma_start3A_90 = arith.constant 0 : i32
      %dma_start3A_91 = tpu.memref_slice %arg6[%scan3A_85, %dma_start3A_90] : memref<32x512xi32, #tpu.memory_space<vmem>> -> memref<1x512xi32, #tpu.memory_space<vmem>>
      %dma_start3A_92 = tpu.memref_squeeze %dma_start3A_91 : memref<1x512xi32, #tpu.memory_space<vmem>> -> memref<512xi32, #tpu.memory_space<vmem>>
      %dma_start3A_93 = arith.constant 0 : i32
      %dma_start3A_94 = tpu.memref_slice %arg3[%dma_start3A_93] : memref<83200000xf32, #tpu.memory_space<hbm>> -> memref<83200000xf32, #tpu.memory_space<hbm>>
      tpu.enqueue_indirect_dma source(%dma_start3A_94 : memref<83200000xf32, #tpu.memory_space<hbm>>) target(%dma_start3A_89 : memref<512xf32, #tpu.memory_space<vmem>>) offsets(%dma_start3A_92 : memref<512xi32, #tpu.memory_space<vmem>>) semaphore(%arg13 : memref<!tpu.dma_semaphore, #tpu.memory_space<semaphore_mem>>)
      %scan3A_95 = arith.constant 0 : i32
      scf.yield %scan3A_95 : i32
    }
    %scan3A_29 = arith.constant 32 : i32
    %scan3A_30 = arith.constant 0 : i32
    %scan3A_31 = arith.constant 0 : i32
    %scan3A_32 = arith.constant 128 : i32
    %scan3A_33 = arith.addi %scan3A_31, %scan3A_32 : i32
    %scan3A_34 = arith.constant 1 : i32
    %scan3A_35 = scf.for %scan3A_85 = %scan3A_31 to %scan3A_33 step %scan3A_34 iter_args(%scan3A_86 = %scan3A_30) -> (i32)  : i32 {
      %jit3A = arith.constant 4 : i32
      %div3A = arith.divsi %scan3A_85, %jit3A : i32
      %sign3A = arith.constant 0 : i32
      %sign3A_87 = arith.cmpi sgt, %scan3A_85, %sign3A : i32
      %sign3A_88 = arith.extui %sign3A_87 : i1 to i32
      %sign3A_89 = arith.constant 0 : i32
      %sign3A_90 = arith.cmpi slt, %scan3A_85, %sign3A_89 : i32
      %sign3A_91 = arith.extui %sign3A_90 : i1 to i32
      %sign3A_92 = arith.subi %sign3A_88, %sign3A_91 : i32
      %sign3A_93 = arith.constant 0 : i32
      %sign3A_94 = arith.cmpi sgt, %jit3A, %sign3A_93 : i32
      %sign3A_95 = arith.extui %sign3A_94 : i1 to i32
      %sign3A_96 = arith.constant 0 : i32
      %sign3A_97 = arith.cmpi slt, %jit3A, %sign3A_96 : i32
      %sign3A_98 = arith.extui %sign3A_97 : i1 to i32
      %sign3A_99 = arith.subi %sign3A_95, %sign3A_98 : i32
      %ne3A = arith.cmpi ne, %sign3A_92, %sign3A_99 : i32
      %rem3A = arith.remsi %scan3A_85, %jit3A : i32
      %ne3A_100 = arith.constant 0 : i32
      %ne3A_101 = arith.cmpi ne, %rem3A, %ne3A_100 : i32
      %and3A = arith.andi %ne3A, %ne3A_101 : i1
      %sub3A = arith.constant 1 : i32
      %sub3A_102 = arith.subi %div3A, %sub3A : i32
      %select_n3A = arith.select %and3A, %sub3A_102, %div3A : i32
      %mul3A_103 = arith.constant 4 : i32
      %mul3A_104 = arith.muli %select_n3A, %mul3A_103 : i32
      %sub3A_105 = arith.subi %scan3A_85, %mul3A_104 : i32
      %add3A_106 = arith.constant 32 : i32
      %add3A_107 = arith.addi %add3A_106, %select_n3A : i32
      %mul3A_108 = arith.constant 100000 : i32
      %mul3A_109 = arith.muli %add3A_107, %mul3A_108 : i32
      %mul3A_110 = arith.constant 128 : i32
      %mul3A_111 = arith.muli %sub3A_105, %mul3A_110 : i32
      %add3A_112 = arith.constant 0 : i32
      %add3A_113 = arith.addi %mul3A_111, %add3A_112 : i32
      %get3A = arith.constant 1 : i32
      %get3A_114 = arith.index_cast %get3A : i32 to index
      %get3A_115 = arith.index_cast %sub3A_105 : i32 to index
      %get3A_116 = arith.constant 0 : index
      %get3A_117 = tpu.vector_load %arg5[%get3A_114, %get3A_115, %get3A_116] {strides = array<i32>} : memref<26x4x128xi32, #tpu.memory_space<vmem>>, vector<1x1x16xi32>,
      %get3A_118 = vector.shape_cast %get3A_117 : vector<1x1x16xi32> to vector<16xi32>
      %add3A_119 = vector.broadcast %mul3A_109 : i32 to vector<16xi32>
      %add3A_120 = arith.addi %get3A_118, %add3A_119 : vector<16xi32>
      %swap3A = arith.index_cast %select_n3A : i32 to index
      %swap3A_121 = arith.index_cast %add3A_113 : i32 to index
      %swap3A_122 = tpu.vector_load %arg7[%swap3A, %swap3A_121] {strides = array<i32>} : memref<32x512xi32, #tpu.memory_space<vmem>>, vector<1x16xi32>,
      %swap3A_123 = vector.shape_cast %swap3A_122 : vector<1x16xi32> to vector<16xi32>
      %swap3A_124 = vector.shape_cast %add3A_120 : vector<16xi32> to vector<1x16xi32>
      tpu.vector_store %arg7[%swap3A, %swap3A_121], %swap3A_124 {strides = array<i32>} : memref<32x512xi32, #tpu.memory_space<vmem>>, vector<1x16xi32>,
      %mul3A_125 = arith.constant 128 : i32
      %mul3A_126 = arith.muli %sub3A_105, %mul3A_125 : i32
      %add3A_127 = arith.constant 16 : i32
      %add3A_128 = arith.addi %mul3A_126, %add3A_127 : i32
      %get3A_129 = arith.constant 1 : i32
      %get3A_130 = arith.index_cast %get3A_129 : i32 to index
      %get3A_131 = arith.index_cast %sub3A_105 : i32 to index
      %get3A_132 = arith.constant 16 : index
      %get3A_133 = tpu.vector_load %arg5[%get3A_130, %get3A_131, %get3A_132] {strides = array<i32>} : memref<26x4x128xi32, #tpu.memory_space<vmem>>, vector<1x1x16xi32>,
      %get3A_134 = vector.shape_cast %get3A_133 : vector<1x1x16xi32> to vector<16xi32>
      %add3A_135 = vector.broadcast %mul3A_109 : i32 to vector<16xi32>
      %add3A_136 = arith.addi %get3A_134, %add3A_135 : vector<16xi32>
      %swap3A_137 = arith.index_cast %select_n3A : i32 to index
      %swap3A_138 = arith.index_cast %add3A_128 : i32 to index
      %swap3A_139 = tpu.vector_load %arg7[%swap3A_137, %swap3A_138] {strides = array<i32>} : memref<32x512xi32, #tpu.memory_space<vmem>>, vector<1x16xi32>,
      %swap3A_140 = vector.shape_cast %swap3A_139 : vector<1x16xi32> to vector<16xi32>
      %swap3A_141 = vector.shape_cast %add3A_136 : vector<16xi32> to vector<1x16xi32>
      tpu.vector_store %arg7[%swap3A_137, %swap3A_138], %swap3A_141 {strides = array<i32>} : memref<32x512xi32, #tpu.memory_space<vmem>>, vector<1x16xi32>,
      %mul3A_142 = arith.constant 128 : i32
      %mul3A_143 = arith.muli %sub3A_105, %mul3A_142 : i32
      %add3A_144 = arith.constant 32 : i32
      %add3A_145 = arith.addi %mul3A_143, %add3A_144 : i32
      %get3A_146 = arith.constant 1 : i32
      %get3A_147 = arith.index_cast %get3A_146 : i32 to index
      %get3A_148 = arith.index_cast %sub3A_105 : i32 to index
      %get3A_149 = arith.constant 32 : index
      %get3A_150 = tpu.vector_load %arg5[%get3A_147, %get3A_148, %get3A_149] {strides = array<i32>} : memref<26x4x128xi32, #tpu.memory_space<vmem>>, vector<1x1x16xi32>,
      %get3A_151 = vector.shape_cast %get3A_150 : vector<1x1x16xi32> to vector<16xi32>
      %add3A_152 = vector.broadcast %mul3A_109 : i32 to vector<16xi32>
      %add3A_153 = arith.addi %get3A_151, %add3A_152 : vector<16xi32>
      %swap3A_154 = arith.index_cast %select_n3A : i32 to index
      %swap3A_155 = arith.index_cast %add3A_145 : i32 to index
      %swap3A_156 = tpu.vector_load %arg7[%swap3A_154, %swap3A_155] {strides = array<i32>} : memref<32x512xi32, #tpu.memory_space<vmem>>, vector<1x16xi32>,
      %swap3A_157 = vector.shape_cast %swap3A_156 : vector<1x16xi32> to vector<16xi32>
      %swap3A_158 = vector.shape_cast %add3A_153 : vector<16xi32> to vector<1x16xi32>
      tpu.vector_store %arg7[%swap3A_154, %swap3A_155], %swap3A_158 {strides = array<i32>} : memref<32x512xi32, #tpu.memory_space<vmem>>, vector<1x16xi32>,
      %mul3A_159 = arith.constant 128 : i32
      %mul3A_160 = arith.muli %sub3A_105, %mul3A_159 : i32
      %add3A_161 = arith.constant 48 : i32
      %add3A_162 = arith.addi %mul3A_160, %add3A_161 : i32
      %get3A_163 = arith.constant 1 : i32
      %get3A_164 = arith.index_cast %get3A_163 : i32 to index
      %get3A_165 = arith.index_cast %sub3A_105 : i32 to index
      %get3A_166 = arith.constant 48 : index
      %get3A_167 = tpu.vector_load %arg5[%get3A_164, %get3A_165, %get3A_166] {strides = array<i32>} : memref<26x4x128xi32, #tpu.memory_space<vmem>>, vector<1x1x16xi32>,
      %get3A_168 = vector.shape_cast %get3A_167 : vector<1x1x16xi32> to vector<16xi32>
      %add3A_169 = vector.broadcast %mul3A_109 : i32 to vector<16xi32>
      %add3A_170 = arith.addi %get3A_168, %add3A_169 : vector<16xi32>
      %swap3A_171 = arith.index_cast %select_n3A : i32 to index
      %swap3A_172 = arith.index_cast %add3A_162 : i32 to index
      %swap3A_173 = tpu.vector_load %arg7[%swap3A_171, %swap3A_172] {strides = array<i32>} : memref<32x512xi32, #tpu.memory_space<vmem>>, vector<1x16xi32>,
      %swap3A_174 = vector.shape_cast %swap3A_173 : vector<1x16xi32> to vector<16xi32>
      %swap3A_175 = vector.shape_cast %add3A_170 : vector<16xi32> to vector<1x16xi32>
      tpu.vector_store %arg7[%swap3A_171, %swap3A_172], %swap3A_175 {strides = array<i32>} : memref<32x512xi32, #tpu.memory_space<vmem>>, vector<1x16xi32>,
      %mul3A_176 = arith.constant 128 : i32
      %mul3A_177 = arith.muli %sub3A_105, %mul3A_176 : i32
      %add3A_178 = arith.constant 64 : i32
      %add3A_179 = arith.addi %mul3A_177, %add3A_178 : i32
      %get3A_180 = arith.constant 1 : i32
      %get3A_181 = arith.index_cast %get3A_180 : i32 to index
      %get3A_182 = arith.index_cast %sub3A_105 : i32 to index
      %get3A_183 = arith.constant 64 : index
      %get3A_184 = tpu.vector_load %arg5[%get3A_181, %get3A_182, %get3A_183] {strides = array<i32>} : memref<26x4x128xi32, #tpu.memory_space<vmem>>, vector<1x1x16xi32>,
      %get3A_185 = vector.shape_cast %get3A_184 : vector<1x1x16xi32> to vector<16xi32>
      %add3A_186 = vector.broadcast %mul3A_109 : i32 to vector<16xi32>
      %add3A_187 = arith.addi %get3A_185, %add3A_186 : vector<16xi32>
      %swap3A_188 = arith.index_cast %select_n3A : i32 to index
      %swap3A_189 = arith.index_cast %add3A_179 : i32 to index
      %swap3A_190 = tpu.vector_load %arg7[%swap3A_188, %swap3A_189] {strides = array<i32>} : memref<32x512xi32, #tpu.memory_space<vmem>>, vector<1x16xi32>,
      %swap3A_191 = vector.shape_cast %swap3A_190 : vector<1x16xi32> to vector<16xi32>
      %swap3A_192 = vector.shape_cast %add3A_187 : vector<16xi32> to vector<1x16xi32>
      tpu.vector_store %arg7[%swap3A_188, %swap3A_189], %swap3A_192 {strides = array<i32>} : memref<32x512xi32, #tpu.memory_space<vmem>>, vector<1x16xi32>,
      %mul3A_193 = arith.constant 128 : i32
      %mul3A_194 = arith.muli %sub3A_105, %mul3A_193 : i32
      %add3A_195 = arith.constant 80 : i32
      %add3A_196 = arith.addi %mul3A_194, %add3A_195 : i32
      %get3A_197 = arith.constant 1 : i32
      %get3A_198 = arith.index_cast %get3A_197 : i32 to index
      %get3A_199 = arith.index_cast %sub3A_105 : i32 to index
      %get3A_200 = arith.constant 80 : index
      %get3A_201 = tpu.vector_load %arg5[%get3A_198, %get3A_199, %get3A_200] {strides = array<i32>} : memref<26x4x128xi32, #tpu.memory_space<vmem>>, vector<1x1x16xi32>,
      %get3A_202 = vector.shape_cast %get3A_201 : vector<1x1x16xi32> to vector<16xi32>
      %add3A_203 = vector.broadcast %mul3A_109 : i32 to vector<16xi32>
      %add3A_204 = arith.addi %get3A_202, %add3A_203 : vector<16xi32>
      %swap3A_205 = arith.index_cast %select_n3A : i32 to index
      %swap3A_206 = arith.index_cast %add3A_196 : i32 to index
      %swap3A_207 = tpu.vector_load %arg7[%swap3A_205, %swap3A_206] {strides = array<i32>} : memref<32x512xi32, #tpu.memory_space<vmem>>, vector<1x16xi32>,
      %swap3A_208 = vector.shape_cast %swap3A_207 : vector<1x16xi32> to vector<16xi32>
      %swap3A_209 = vector.shape_cast %add3A_204 : vector<16xi32> to vector<1x16xi32>
      tpu.vector_store %arg7[%swap3A_205, %swap3A_206], %swap3A_209 {strides = array<i32>} : memref<32x512xi32, #tpu.memory_space<vmem>>, vector<1x16xi32>,
      %mul3A_210 = arith.constant 128 : i32
      %mul3A_211 = arith.muli %sub3A_105, %mul3A_210 : i32
      %add3A_212 = arith.constant 96 : i32
      %add3A_213 = arith.addi %mul3A_211, %add3A_212 : i32
      %get3A_214 = arith.constant 1 : i32
      %get3A_215 = arith.index_cast %get3A_214 : i32 to index
      %get3A_216 = arith.index_cast %sub3A_105 : i32 to index
      %get3A_217 = arith.constant 96 : index
      %get3A_218 = tpu.vector_load %arg5[%get3A_215, %get3A_216, %get3A_217] {strides = array<i32>} : memref<26x4x128xi32, #tpu.memory_space<vmem>>, vector<1x1x16xi32>,
      %get3A_219 = vector.shape_cast %get3A_218 : vector<1x1x16xi32> to vector<16xi32>
      %add3A_220 = vector.broadcast %mul3A_109 : i32 to vector<16xi32>
      %add3A_221 = arith.addi %get3A_219, %add3A_220 : vector<16xi32>
      %swap3A_222 = arith.index_cast %select_n3A : i32 to index
      %swap3A_223 = arith.index_cast %add3A_213 : i32 to index
      %swap3A_224 = tpu.vector_load %arg7[%swap3A_222, %swap3A_223] {strides = array<i32>} : memref<32x512xi32, #tpu.memory_space<vmem>>, vector<1x16xi32>,
      %swap3A_225 = vector.shape_cast %swap3A_224 : vector<1x16xi32> to vector<16xi32>
      %swap3A_226 = vector.shape_cast %add3A_221 : vector<16xi32> to vector<1x16xi32>
      tpu.vector_store %arg7[%swap3A_222, %swap3A_223], %swap3A_226 {strides = array<i32>} : memref<32x512xi32, #tpu.memory_space<vmem>>, vector<1x16xi32>,
      %mul3A_227 = arith.constant 128 : i32
      %mul3A_228 = arith.muli %sub3A_105, %mul3A_227 : i32
      %add3A_229 = arith.constant 112 : i32
      %add3A_230 = arith.addi %mul3A_228, %add3A_229 : i32
      %get3A_231 = arith.constant 1 : i32
      %get3A_232 = arith.index_cast %get3A_231 : i32 to index
      %get3A_233 = arith.index_cast %sub3A_105 : i32 to index
      %get3A_234 = arith.constant 112 : index
      %get3A_235 = tpu.vector_load %arg5[%get3A_232, %get3A_233, %get3A_234] {strides = array<i32>} : memref<26x4x128xi32, #tpu.memory_space<vmem>>, vector<1x1x16xi32>,
      %get3A_236 = vector.shape_cast %get3A_235 : vector<1x1x16xi32> to vector<16xi32>
      %add3A_237 = vector.broadcast %mul3A_109 : i32 to vector<16xi32>
      %add3A_238 = arith.addi %get3A_236, %add3A_237 : vector<16xi32>
      %swap3A_239 = arith.index_cast %select_n3A : i32 to index
      %swap3A_240 = arith.index_cast %add3A_230 : i32 to index
      %swap3A_241 = tpu.vector_load %arg7[%swap3A_239, %swap3A_240] {strides = array<i32>} : memref<32x512xi32, #tpu.memory_space<vmem>>, vector<1x16xi32>,
      %swap3A_242 = vector.shape_cast %swap3A_241 : vector<1x16xi32> to vector<16xi32>
      %swap3A_243 = vector.shape_cast %add3A_238 : vector<16xi32> to vector<1x16xi32>
      tpu.vector_store %arg7[%swap3A_239, %swap3A_240], %swap3A_243 {strides = array<i32>} : memref<32x512xi32, #tpu.memory_space<vmem>>, vector<1x16xi32>,
      %scan3A_244 = arith.constant 0 : i32
      scf.yield %scan3A_244 : i32
    }
    %scan3A_36 = arith.constant 128 : i32
    %scan3A_37 = arith.constant 0 : i32
    %scan3A_38 = arith.constant 0 : i32
    %scan3A_39 = arith.constant 32 : i32
    %scan3A_40 = arith.addi %scan3A_38, %scan3A_39 : i32
    %scan3A_41 = arith.constant 1 : i32
    %scan3A_42 = scf.for %scan3A_85 = %scan3A_38 to %scan3A_40 step %scan3A_41 iter_args(%scan3A_86 = %scan3A_37) -> (i32)  : i32 {
      %dma_start3A_87 = arith.constant 0 : i32
      %dma_start3A_88 = tpu.memref_slice %arg9[%scan3A_85, %dma_start3A_87] : memref<32x512xf32, #tpu.memory_space<vmem>> -> memref<1x512xf32, #tpu.memory_space<vmem>>
      %dma_start3A_89 = tpu.memref_squeeze %dma_start3A_88 : memref<1x512xf32, #tpu.memory_space<vmem>> -> memref<512xf32, #tpu.memory_space<vmem>>
      %dma_start3A_90 = arith.constant 0 : i32
      %dma_start3A_91 = tpu.memref_slice %arg7[%scan3A_85, %dma_start3A_90] : memref<32x512xi32, #tpu.memory_space<vmem>> -> memref<1x512xi32, #tpu.memory_space<vmem>>
      %dma_start3A_92 = tpu.memref_squeeze %dma_start3A_91 : memref<1x512xi32, #tpu.memory_space<vmem>> -> memref<512xi32, #tpu.memory_space<vmem>>
      %dma_start3A_93 = arith.constant 0 : i32
      %dma_start3A_94 = tpu.memref_slice %arg3[%dma_start3A_93] : memref<83200000xf32, #tpu.memory_space<hbm>> -> memref<83200000xf32, #tpu.memory_space<hbm>>
      tpu.enqueue_indirect_dma source(%dma_start3A_94 : memref<83200000xf32, #tpu.memory_space<hbm>>) target(%dma_start3A_89 : memref<512xf32, #tpu.memory_space<vmem>>) offsets(%dma_start3A_92 : memref<512xi32, #tpu.memory_space<vmem>>) semaphore(%arg14 : memref<!tpu.dma_semaphore, #tpu.memory_space<semaphore_mem>>)
      %scan3A_95 = arith.constant 0 : i32
      scf.yield %scan3A_95 : i32
    }
    %scan3A_43 = arith.constant 32 : i32
    %scan3A_44 = arith.constant 0 : i32
    %scan3A_45 = arith.constant 0 : i32
    %scan3A_46 = arith.constant 6 : i32
    %scan3A_47 = arith.addi %scan3A_45, %scan3A_46 : i32
    %scan3A_48 = arith.constant 1 : i32
    %scan3A_49 = scf.for %scan3A_85 = %scan3A_45 to %scan3A_47 step %scan3A_48 iter_args(%scan3A_86 = %scan3A_44) -> (i32)  : i32 {
      %mul3A_87 = arith.constant 4 : i32
      %mul3A_88 = arith.muli %mul3A_87, %scan3A_85 : i32
      %add3A_89 = arith.constant 0 : i32
      %add3A_90 = arith.addi %mul3A_88, %add3A_89 : i32
      %dma_wait3A_91 = arith.constant 0 : i32
      %dma_wait3A_92 = arith.constant 0 : i32
      %dma_wait3A_93 = tpu.memref_slice %arg4[%dma_wait3A_91, %dma_wait3A_92] : memref<832x16384xf32, #tpu.memory_space<hbm>> -> memref<32x512xf32, #tpu.memory_space<hbm>>
      %dma_wait3A_94 = arith.constant 0 : i32
      %dma_wait3A_95 = arith.constant 0 : i32
      %dma_wait3A_96 = tpu.memref_slice %arg4[%dma_wait3A_94, %dma_wait3A_95] : memref<832x16384xf32, #tpu.memory_space<hbm>> -> memref<32x512xf32, #tpu.memory_space<hbm>>
      tpu.wait_dma2 semaphore(%arg13 : memref<!tpu.dma_semaphore, #tpu.memory_space<semaphore_mem>>) src(%dma_wait3A_96 : memref<32x512xf32, #tpu.memory_space<hbm>>) dst(%arg8 : memref<32x512xf32, #tpu.memory_space<vmem>>)
      %add3A_97 = arith.constant 2 : i32
      %add3A_98 = arith.addi %add3A_90, %add3A_97 : i32
      %lt3A = arith.constant 26 : i32
      %lt3A_99 = arith.cmpi slt, %add3A_98, %lt3A : i32
      %convert_element_type3A = arith.extui %lt3A_99 : i1 to i32
      %cond3A = arith.constant 0 : i32
      %cond3A_100 = arith.cmpi ne, %convert_element_type3A, %cond3A : i32
      scf.if %cond3A_100 {
        %add3A_163 = arith.constant 2 : i32
        %add3A_164 = arith.addi %add3A_90, %add3A_163 : i32
        %scan3A_165 = arith.constant 0 : i32
        %scan3A_166 = arith.constant 0 : i32
        %scan3A_167 = arith.constant 128 : i32
        %scan3A_168 = arith.addi %scan3A_166, %scan3A_167 : i32
        %scan3A_169 = arith.constant 1 : i32
        %scan3A_170 = scf.for %scan3A_183 = %scan3A_166 to %scan3A_168 step %scan3A_169 iter_args(%scan3A_184 = %scan3A_165) -> (i32)  : i32 {
          %jit3A = arith.constant 4 : i32
          %div3A = arith.divsi %scan3A_183, %jit3A : i32
          %sign3A = arith.constant 0 : i32
          %sign3A_185 = arith.cmpi sgt, %scan3A_183, %sign3A : i32
          %sign3A_186 = arith.extui %sign3A_185 : i1 to i32
          %sign3A_187 = arith.constant 0 : i32
          %sign3A_188 = arith.cmpi slt, %scan3A_183, %sign3A_187 : i32
          %sign3A_189 = arith.extui %sign3A_188 : i1 to i32
          %sign3A_190 = arith.subi %sign3A_186, %sign3A_189 : i32
          %sign3A_191 = arith.constant 0 : i32
          %sign3A_192 = arith.cmpi sgt, %jit3A, %sign3A_191 : i32
          %sign3A_193 = arith.extui %sign3A_192 : i1 to i32
          %sign3A_194 = arith.constant 0 : i32
          %sign3A_195 = arith.cmpi slt, %jit3A, %sign3A_194 : i32
          %sign3A_196 = arith.extui %sign3A_195 : i1 to i32
          %sign3A_197 = arith.subi %sign3A_193, %sign3A_196 : i32
          %ne3A = arith.cmpi ne, %sign3A_190, %sign3A_197 : i32
          %rem3A = arith.remsi %scan3A_183, %jit3A : i32
          %ne3A_198 = arith.constant 0 : i32
          %ne3A_199 = arith.cmpi ne, %rem3A, %ne3A_198 : i32
          %and3A = arith.andi %ne3A, %ne3A_199 : i1
          %sub3A = arith.constant 1 : i32
          %sub3A_200 = arith.subi %div3A, %sub3A : i32
          %select_n3A = arith.select %and3A, %sub3A_200, %div3A : i32
          %mul3A_201 = arith.constant 4 : i32
          %mul3A_202 = arith.muli %select_n3A, %mul3A_201 : i32
          %sub3A_203 = arith.subi %scan3A_183, %mul3A_202 : i32
          %mul3A_204 = arith.constant 32 : i32
          %mul3A_205 = arith.muli %add3A_164, %mul3A_204 : i32
          %add3A_206 = arith.addi %mul3A_205, %select_n3A : i32
          %mul3A_207 = arith.constant 100000 : i32
          %mul3A_208 = arith.muli %add3A_206, %mul3A_207 : i32
          %mul3A_209 = arith.constant 128 : i32
          %mul3A_210 = arith.muli %sub3A_203, %mul3A_209 : i32
          %add3A_211 = arith.constant 0 : i32
          %add3A_212 = arith.addi %mul3A_210, %add3A_211 : i32
          %get3A = arith.index_cast %add3A_164 : i32 to index
          %get3A_213 = arith.index_cast %sub3A_203 : i32 to index
          %get3A_214 = arith.constant 0 : index
          %get3A_215 = tpu.vector_load %arg5[%get3A, %get3A_213, %get3A_214] {strides = array<i32>} : memref<26x4x128xi32, #tpu.memory_space<vmem>>, vector<1x1x16xi32>,
          %get3A_216 = vector.shape_cast %get3A_215 : vector<1x1x16xi32> to vector<16xi32>
          %add3A_217 = vector.broadcast %mul3A_208 : i32 to vector<16xi32>
          %add3A_218 = arith.addi %get3A_216, %add3A_217 : vector<16xi32>
          %swap3A = arith.index_cast %select_n3A : i32 to index
          %swap3A_219 = arith.index_cast %add3A_212 : i32 to index
          %swap3A_220 = tpu.vector_load %arg6[%swap3A, %swap3A_219] {strides = array<i32>} : memref<32x512xi32, #tpu.memory_space<vmem>>, vector<1x16xi32>,
          %swap3A_221 = vector.shape_cast %swap3A_220 : vector<1x16xi32> to vector<16xi32>
          %swap3A_222 = vector.shape_cast %add3A_218 : vector<16xi32> to vector<1x16xi32>
          tpu.vector_store %arg6[%swap3A, %swap3A_219], %swap3A_222 {strides = array<i32>} : memref<32x512xi32, #tpu.memory_space<vmem>>, vector<1x16xi32>,
          %mul3A_223 = arith.constant 128 : i32
          %mul3A_224 = arith.muli %sub3A_203, %mul3A_223 : i32
          %add3A_225 = arith.constant 16 : i32
          %add3A_226 = arith.addi %mul3A_224, %add3A_225 : i32
          %get3A_227 = arith.index_cast %add3A_164 : i32 to index
          %get3A_228 = arith.index_cast %sub3A_203 : i32 to index
          %get3A_229 = arith.constant 16 : index
          %get3A_230 = tpu.vector_load %arg5[%get3A_227, %get3A_228, %get3A_229] {strides = array<i32>} : memref<26x4x128xi32, #tpu.memory_space<vmem>>, vector<1x1x16xi32>,
          %get3A_231 = vector.shape_cast %get3A_230 : vector<1x1x16xi32> to vector<16xi32>
          %add3A_232 = vector.broadcast %mul3A_208 : i32 to vector<16xi32>
          %add3A_233 = arith.addi %get3A_231, %add3A_232 : vector<16xi32>
          %swap3A_234 = arith.index_cast %select_n3A : i32 to index
          %swap3A_235 = arith.index_cast %add3A_226 : i32 to index
          %swap3A_236 = tpu.vector_load %arg6[%swap3A_234, %swap3A_235] {strides = array<i32>} : memref<32x512xi32, #tpu.memory_space<vmem>>, vector<1x16xi32>,
          %swap3A_237 = vector.shape_cast %swap3A_236 : vector<1x16xi32> to vector<16xi32>
          %swap3A_238 = vector.shape_cast %add3A_233 : vector<16xi32> to vector<1x16xi32>
          tpu.vector_store %arg6[%swap3A_234, %swap3A_235], %swap3A_238 {strides = array<i32>} : memref<32x512xi32, #tpu.memory_space<vmem>>, vector<1x16xi32>,
          %mul3A_239 = arith.constant 128 : i32
          %mul3A_240 = arith.muli %sub3A_203, %mul3A_239 : i32
          %add3A_241 = arith.constant 32 : i32
          %add3A_242 = arith.addi %mul3A_240, %add3A_241 : i32
          %get3A_243 = arith.index_cast %add3A_164 : i32 to index
          %get3A_244 = arith.index_cast %sub3A_203 : i32 to index
          %get3A_245 = arith.constant 32 : index
          %get3A_246 = tpu.vector_load %arg5[%get3A_243, %get3A_244, %get3A_245] {strides = array<i32>} : memref<26x4x128xi32, #tpu.memory_space<vmem>>, vector<1x1x16xi32>,
          %get3A_247 = vector.shape_cast %get3A_246 : vector<1x1x16xi32> to vector<16xi32>
          %add3A_248 = vector.broadcast %mul3A_208 : i32 to vector<16xi32>
          %add3A_249 = arith.addi %get3A_247, %add3A_248 : vector<16xi32>
          %swap3A_250 = arith.index_cast %select_n3A : i32 to index
          %swap3A_251 = arith.index_cast %add3A_242 : i32 to index
          %swap3A_252 = tpu.vector_load %arg6[%swap3A_250, %swap3A_251] {strides = array<i32>} : memref<32x512xi32, #tpu.memory_space<vmem>>, vector<1x16xi32>,
          %swap3A_253 = vector.shape_cast %swap3A_252 : vector<1x16xi32> to vector<16xi32>
          %swap3A_254 = vector.shape_cast %add3A_249 : vector<16xi32> to vector<1x16xi32>
          tpu.vector_store %arg6[%swap3A_250, %swap3A_251], %swap3A_254 {strides = array<i32>} : memref<32x512xi32, #tpu.memory_space<vmem>>, vector<1x16xi32>,
          %mul3A_255 = arith.constant 128 : i32
          %mul3A_256 = arith.muli %sub3A_203, %mul3A_255 : i32
          %add3A_257 = arith.constant 48 : i32
          %add3A_258 = arith.addi %mul3A_256, %add3A_257 : i32
          %get3A_259 = arith.index_cast %add3A_164 : i32 to index
          %get3A_260 = arith.index_cast %sub3A_203 : i32 to index
          %get3A_261 = arith.constant 48 : index
          %get3A_262 = tpu.vector_load %arg5[%get3A_259, %get3A_260, %get3A_261] {strides = array<i32>} : memref<26x4x128xi32, #tpu.memory_space<vmem>>, vector<1x1x16xi32>,
          %get3A_263 = vector.shape_cast %get3A_262 : vector<1x1x16xi32> to vector<16xi32>
          %add3A_264 = vector.broadcast %mul3A_208 : i32 to vector<16xi32>
          %add3A_265 = arith.addi %get3A_263, %add3A_264 : vector<16xi32>
          %swap3A_266 = arith.index_cast %select_n3A : i32 to index
          %swap3A_267 = arith.index_cast %add3A_258 : i32 to index
          %swap3A_268 = tpu.vector_load %arg6[%swap3A_266, %swap3A_267] {strides = array<i32>} : memref<32x512xi32, #tpu.memory_space<vmem>>, vector<1x16xi32>,
          %swap3A_269 = vector.shape_cast %swap3A_268 : vector<1x16xi32> to vector<16xi32>
          %swap3A_270 = vector.shape_cast %add3A_265 : vector<16xi32> to vector<1x16xi32>
          tpu.vector_store %arg6[%swap3A_266, %swap3A_267], %swap3A_270 {strides = array<i32>} : memref<32x512xi32, #tpu.memory_space<vmem>>, vector<1x16xi32>,
          %mul3A_271 = arith.constant 128 : i32
          %mul3A_272 = arith.muli %sub3A_203, %mul3A_271 : i32
          %add3A_273 = arith.constant 64 : i32
          %add3A_274 = arith.addi %mul3A_272, %add3A_273 : i32
          %get3A_275 = arith.index_cast %add3A_164 : i32 to index
          %get3A_276 = arith.index_cast %sub3A_203 : i32 to index
          %get3A_277 = arith.constant 64 : index
          %get3A_278 = tpu.vector_load %arg5[%get3A_275, %get3A_276, %get3A_277] {strides = array<i32>} : memref<26x4x128xi32, #tpu.memory_space<vmem>>, vector<1x1x16xi32>,
          %get3A_279 = vector.shape_cast %get3A_278 : vector<1x1x16xi32> to vector<16xi32>
          %add3A_280 = vector.broadcast %mul3A_208 : i32 to vector<16xi32>
          %add3A_281 = arith.addi %get3A_279, %add3A_280 : vector<16xi32>
          %swap3A_282 = arith.index_cast %select_n3A : i32 to index
          %swap3A_283 = arith.index_cast %add3A_274 : i32 to index
          %swap3A_284 = tpu.vector_load %arg6[%swap3A_282, %swap3A_283] {strides = array<i32>} : memref<32x512xi32, #tpu.memory_space<vmem>>, vector<1x16xi32>,
          %swap3A_285 = vector.shape_cast %swap3A_284 : vector<1x16xi32> to vector<16xi32>
          %swap3A_286 = vector.shape_cast %add3A_281 : vector<16xi32> to vector<1x16xi32>
          tpu.vector_store %arg6[%swap3A_282, %swap3A_283], %swap3A_286 {strides = array<i32>} : memref<32x512xi32, #tpu.memory_space<vmem>>, vector<1x16xi32>,
          %mul3A_287 = arith.constant 128 : i32
          %mul3A_288 = arith.muli %sub3A_203, %mul3A_287 : i32
          %add3A_289 = arith.constant 80 : i32
          %add3A_290 = arith.addi %mul3A_288, %add3A_289 : i32
          %get3A_291 = arith.index_cast %add3A_164 : i32 to index
          %get3A_292 = arith.index_cast %sub3A_203 : i32 to index
          %get3A_293 = arith.constant 80 : index
          %get3A_294 = tpu.vector_load %arg5[%get3A_291, %get3A_292, %get3A_293] {strides = array<i32>} : memref<26x4x128xi32, #tpu.memory_space<vmem>>, vector<1x1x16xi32>,
          %get3A_295 = vector.shape_cast %get3A_294 : vector<1x1x16xi32> to vector<16xi32>
          %add3A_296 = vector.broadcast %mul3A_208 : i32 to vector<16xi32>
          %add3A_297 = arith.addi %get3A_295, %add3A_296 : vector<16xi32>
          %swap3A_298 = arith.index_cast %select_n3A : i32 to index
          %swap3A_299 = arith.index_cast %add3A_290 : i32 to index
          %swap3A_300 = tpu.vector_load %arg6[%swap3A_298, %swap3A_299] {strides = array<i32>} : memref<32x512xi32, #tpu.memory_space<vmem>>, vector<1x16xi32>,
          %swap3A_301 = vector.shape_cast %swap3A_300 : vector<1x16xi32> to vector<16xi32>
          %swap3A_302 = vector.shape_cast %add3A_297 : vector<16xi32> to vector<1x16xi32>
          tpu.vector_store %arg6[%swap3A_298, %swap3A_299], %swap3A_302 {strides = array<i32>} : memref<32x512xi32, #tpu.memory_space<vmem>>, vector<1x16xi32>,
          %mul3A_303 = arith.constant 128 : i32
          %mul3A_304 = arith.muli %sub3A_203, %mul3A_303 : i32
          %add3A_305 = arith.constant 96 : i32
          %add3A_306 = arith.addi %mul3A_304, %add3A_305 : i32
          %get3A_307 = arith.index_cast %add3A_164 : i32 to index
          %get3A_308 = arith.index_cast %sub3A_203 : i32 to index
          %get3A_309 = arith.constant 96 : index
          %get3A_310 = tpu.vector_load %arg5[%get3A_307, %get3A_308, %get3A_309] {strides = array<i32>} : memref<26x4x128xi32, #tpu.memory_space<vmem>>, vector<1x1x16xi32>,
          %get3A_311 = vector.shape_cast %get3A_310 : vector<1x1x16xi32> to vector<16xi32>
          %add3A_312 = vector.broadcast %mul3A_208 : i32 to vector<16xi32>
          %add3A_313 = arith.addi %get3A_311, %add3A_312 : vector<16xi32>
          %swap3A_314 = arith.index_cast %select_n3A : i32 to index
          %swap3A_315 = arith.index_cast %add3A_306 : i32 to index
          %swap3A_316 = tpu.vector_load %arg6[%swap3A_314, %swap3A_315] {strides = array<i32>} : memref<32x512xi32, #tpu.memory_space<vmem>>, vector<1x16xi32>,
          %swap3A_317 = vector.shape_cast %swap3A_316 : vector<1x16xi32> to vector<16xi32>
          %swap3A_318 = vector.shape_cast %add3A_313 : vector<16xi32> to vector<1x16xi32>
          tpu.vector_store %arg6[%swap3A_314, %swap3A_315], %swap3A_318 {strides = array<i32>} : memref<32x512xi32, #tpu.memory_space<vmem>>, vector<1x16xi32>,
          %mul3A_319 = arith.constant 128 : i32
          %mul3A_320 = arith.muli %sub3A_203, %mul3A_319 : i32
          %add3A_321 = arith.constant 112 : i32
          %add3A_322 = arith.addi %mul3A_320, %add3A_321 : i32
          %get3A_323 = arith.index_cast %add3A_164 : i32 to index
          %get3A_324 = arith.index_cast %sub3A_203 : i32 to index
          %get3A_325 = arith.constant 112 : index
          %get3A_326 = tpu.vector_load %arg5[%get3A_323, %get3A_324, %get3A_325] {strides = array<i32>} : memref<26x4x128xi32, #tpu.memory_space<vmem>>, vector<1x1x16xi32>,
          %get3A_327 = vector.shape_cast %get3A_326 : vector<1x1x16xi32> to vector<16xi32>
          %add3A_328 = vector.broadcast %mul3A_208 : i32 to vector<16xi32>
          %add3A_329 = arith.addi %get3A_327, %add3A_328 : vector<16xi32>
          %swap3A_330 = arith.index_cast %select_n3A : i32 to index
          %swap3A_331 = arith.index_cast %add3A_322 : i32 to index
          %swap3A_332 = tpu.vector_load %arg6[%swap3A_330, %swap3A_331] {strides = array<i32>} : memref<32x512xi32, #tpu.memory_space<vmem>>, vector<1x16xi32>,
          %swap3A_333 = vector.shape_cast %swap3A_332 : vector<1x16xi32> to vector<16xi32>
          %swap3A_334 = vector.shape_cast %add3A_329 : vector<16xi32> to vector<1x16xi32>
          tpu.vector_store %arg6[%swap3A_330, %swap3A_331], %swap3A_334 {strides = array<i32>} : memref<32x512xi32, #tpu.memory_space<vmem>>, vector<1x16xi32>,
          %scan3A_335 = arith.constant 0 : i32
          scf.yield %scan3A_335 : i32
        }
        %scan3A_171 = arith.constant 128 : i32
        %ge3A = arith.constant 2 : i32
        %ge3A_172 = arith.cmpi sge, %add3A_90, %ge3A : i32
        %convert_element_type3A_173 = arith.extui %ge3A_172 : i1 to i32
        %cond3A_174 = arith.constant 0 : i32
        %cond3A_175 = arith.cmpi ne, %convert_element_type3A_173, %cond3A_174 : i32
        scf.if %cond3A_175 {
          %dma_wait3A_183 = arith.constant 0 : i32
          %dma_wait3A_184 = tpu.memref_slice %arg4[%dma_wait3A_183, %mul3A_2] : memref<832x16384xf32, #tpu.memory_space<hbm>> -> memref<32x512xf32, #tpu.memory_space<hbm>>
          %dma_wait3A_185 = arith.constant 0 : i32
          %dma_wait3A_186 = tpu.memref_slice %arg4[%dma_wait3A_185, %mul3A_2] : memref<832x16384xf32, #tpu.memory_space<hbm>> -> memref<32x512xf32, #tpu.memory_space<hbm>>
          tpu.wait_dma2 semaphore(%arg17 : memref<!tpu.dma_semaphore, #tpu.memory_space<semaphore_mem>>) src(%arg10 : memref<32x512xf32, #tpu.memory_space<vmem>>) dst(%dma_wait3A_186 : memref<32x512xf32, #tpu.memory_space<hbm>>)
        } else {
        }
        %scan3A_176 = arith.constant 0 : i32
        %scan3A_177 = arith.constant 0 : i32
        %scan3A_178 = arith.constant 32 : i32
        %scan3A_179 = arith.addi %scan3A_177, %scan3A_178 : i32
        %scan3A_180 = arith.constant 1 : i32
        %scan3A_181 = scf.for %scan3A_183 = %scan3A_177 to %scan3A_179 step %scan3A_180 iter_args(%scan3A_184 = %scan3A_176) -> (i32)  : i32 {
          %dma_start3A_185 = arith.constant 0 : i32
          %dma_start3A_186 = tpu.memref_slice %arg10[%scan3A_183, %dma_start3A_185] : memref<32x512xf32, #tpu.memory_space<vmem>> -> memref<1x512xf32, #tpu.memory_space<vmem>>
          %dma_start3A_187 = tpu.memref_squeeze %dma_start3A_186 : memref<1x512xf32, #tpu.memory_space<vmem>> -> memref<512xf32, #tpu.memory_space<vmem>>
          %dma_start3A_188 = arith.constant 0 : i32
          %dma_start3A_189 = tpu.memref_slice %arg6[%scan3A_183, %dma_start3A_188] : memref<32x512xi32, #tpu.memory_space<vmem>> -> memref<1x512xi32, #tpu.memory_space<vmem>>
          %dma_start3A_190 = tpu.memref_squeeze %dma_start3A_189 : memref<1x512xi32, #tpu.memory_space<vmem>> -> memref<512xi32, #tpu.memory_space<vmem>>
          %dma_start3A_191 = arith.constant 0 : i32
          %dma_start3A_192 = tpu.memref_slice %arg3[%dma_start3A_191] : memref<83200000xf32, #tpu.memory_space<hbm>> -> memref<83200000xf32, #tpu.memory_space<hbm>>
          tpu.enqueue_indirect_dma source(%dma_start3A_192 : memref<83200000xf32, #tpu.memory_space<hbm>>) target(%dma_start3A_187 : memref<512xf32, #tpu.memory_space<vmem>>) offsets(%dma_start3A_190 : memref<512xi32, #tpu.memory_space<vmem>>) semaphore(%arg13 : memref<!tpu.dma_semaphore, #tpu.memory_space<semaphore_mem>>)
          %scan3A_193 = arith.constant 0 : i32
          scf.yield %scan3A_193 : i32
        }
        %scan3A_182 = arith.constant 32 : i32
      } else {
      }
      %mul3A_101 = arith.constant 32 : i32
      %mul3A_102 = arith.muli %add3A_90, %mul3A_101 : i32
      %dma_start3A_103 = tpu.memref_slice %arg4[%mul3A_102, %mul3A_2] : memref<832x16384xf32, #tpu.memory_space<hbm>> -> memref<32x512xf32, #tpu.memory_space<hbm>>
      %dma_start3A_104 = tpu.memref_slice %arg4[%mul3A_102, %mul3A_2] : memref<832x16384xf32, #tpu.memory_space<hbm>> -> memref<32x512xf32, #tpu.memory_space<hbm>>
      tpu.enqueue_dma source(%arg8 : memref<32x512xf32, #tpu.memory_space<vmem>>) target(%dma_start3A_104 : memref<32x512xf32, #tpu.memory_space<hbm>>) target_semaphore(%arg15 : memref<!tpu.dma_semaphore, #tpu.memory_space<semaphore_mem>>)
      %add3A_105 = arith.constant 1 : i32
      %add3A_106 = arith.addi %mul3A_88, %add3A_105 : i32
      %dma_wait3A_107 = arith.constant 0 : i32
      %dma_wait3A_108 = arith.constant 0 : i32
      %dma_wait3A_109 = tpu.memref_slice %arg4[%dma_wait3A_107, %dma_wait3A_108] : memref<832x16384xf32, #tpu.memory_space<hbm>> -> memref<32x512xf32, #tpu.memory_space<hbm>>
      %dma_wait3A_110 = arith.constant 0 : i32
      %dma_wait3A_111 = arith.constant 0 : i32
      %dma_wait3A_112 = tpu.memref_slice %arg4[%dma_wait3A_110, %dma_wait3A_111] : memref<832x16384xf32, #tpu.memory_space<hbm>> -> memref<32x512xf32, #tpu.memory_space<hbm>>
      tpu.wait_dma2 semaphore(%arg14 : memref<!tpu.dma_semaphore, #tpu.memory_space<semaphore_mem>>) src(%dma_wait3A_112 : memref<32x512xf32, #tpu.memory_space<hbm>>) dst(%arg8 : memref<32x512xf32, #tpu.memory_space<vmem>>)
      %add3A_113 = arith.constant 2 : i32
      %add3A_114 = arith.addi %add3A_106, %add3A_113 : i32
      %lt3A_115 = arith.constant 26 : i32
      %lt3A_116 = arith.cmpi slt, %add3A_114, %lt3A_115 : i32
      %convert_element_type3A_117 = arith.extui %lt3A_116 : i1 to i32
      %cond3A_118 = arith.constant 0 : i32
      %cond3A_119 = arith.cmpi ne, %convert_element_type3A_117, %cond3A_118 : i32
      scf.if %cond3A_119 {
        %add3A_163 = arith.constant 2 : i32
        %add3A_164 = arith.addi %add3A_106, %add3A_163 : i32
        %scan3A_165 = arith.constant 0 : i32
        %scan3A_166 = arith.constant 0 : i32
        %scan3A_167 = arith.constant 128 : i32
        %scan3A_168 = arith.addi %scan3A_166, %scan3A_167 : i32
        %scan3A_169 = arith.constant 1 : i32
        %scan3A_170 = scf.for %scan3A_183 = %scan3A_166 to %scan3A_168 step %scan3A_169 iter_args(%scan3A_184 = %scan3A_165) -> (i32)  : i32 {
          %jit3A = arith.constant 4 : i32
          %div3A = arith.divsi %scan3A_183, %jit3A : i32
          %sign3A = arith.constant 0 : i32
          %sign3A_185 = arith.cmpi sgt, %scan3A_183, %sign3A : i32
          %sign3A_186 = arith.extui %sign3A_185 : i1 to i32
          %sign3A_187 = arith.constant 0 : i32
          %sign3A_188 = arith.cmpi slt, %scan3A_183, %sign3A_187 : i32
          %sign3A_189 = arith.extui %sign3A_188 : i1 to i32
          %sign3A_190 = arith.subi %sign3A_186, %sign3A_189 : i32
          %sign3A_191 = arith.constant 0 : i32
          %sign3A_192 = arith.cmpi sgt, %jit3A, %sign3A_191 : i32
          %sign3A_193 = arith.extui %sign3A_192 : i1 to i32
          %sign3A_194 = arith.constant 0 : i32
          %sign3A_195 = arith.cmpi slt, %jit3A, %sign3A_194 : i32
          %sign3A_196 = arith.extui %sign3A_195 : i1 to i32
          %sign3A_197 = arith.subi %sign3A_193, %sign3A_196 : i32
          %ne3A = arith.cmpi ne, %sign3A_190, %sign3A_197 : i32
          %rem3A = arith.remsi %scan3A_183, %jit3A : i32
          %ne3A_198 = arith.constant 0 : i32
          %ne3A_199 = arith.cmpi ne, %rem3A, %ne3A_198 : i32
          %and3A = arith.andi %ne3A, %ne3A_199 : i1
          %sub3A = arith.constant 1 : i32
          %sub3A_200 = arith.subi %div3A, %sub3A : i32
          %select_n3A = arith.select %and3A, %sub3A_200, %div3A : i32
          %mul3A_201 = arith.constant 4 : i32
          %mul3A_202 = arith.muli %select_n3A, %mul3A_201 : i32
          %sub3A_203 = arith.subi %scan3A_183, %mul3A_202 : i32
          %mul3A_204 = arith.constant 32 : i32
          %mul3A_205 = arith.muli %add3A_164, %mul3A_204 : i32
          %add3A_206 = arith.addi %mul3A_205, %select_n3A : i32
          %mul3A_207 = arith.constant 100000 : i32
          %mul3A_208 = arith.muli %add3A_206, %mul3A_207 : i32
          %mul3A_209 = arith.constant 128 : i32
          %mul3A_210 = arith.muli %sub3A_203, %mul3A_209 : i32
          %add3A_211 = arith.constant 0 : i32
          %add3A_212 = arith.addi %mul3A_210, %add3A_211 : i32
          %get3A = arith.index_cast %add3A_164 : i32 to index
          %get3A_213 = arith.index_cast %sub3A_203 : i32 to index
          %get3A_214 = arith.constant 0 : index
          %get3A_215 = tpu.vector_load %arg5[%get3A, %get3A_213, %get3A_214] {strides = array<i32>} : memref<26x4x128xi32, #tpu.memory_space<vmem>>, vector<1x1x16xi32>,
          %get3A_216 = vector.shape_cast %get3A_215 : vector<1x1x16xi32> to vector<16xi32>
          %add3A_217 = vector.broadcast %mul3A_208 : i32 to vector<16xi32>
          %add3A_218 = arith.addi %get3A_216, %add3A_217 : vector<16xi32>
          %swap3A = arith.index_cast %select_n3A : i32 to index
          %swap3A_219 = arith.index_cast %add3A_212 : i32 to index
          %swap3A_220 = tpu.vector_load %arg7[%swap3A, %swap3A_219] {strides = array<i32>} : memref<32x512xi32, #tpu.memory_space<vmem>>, vector<1x16xi32>,
          %swap3A_221 = vector.shape_cast %swap3A_220 : vector<1x16xi32> to vector<16xi32>
          %swap3A_222 = vector.shape_cast %add3A_218 : vector<16xi32> to vector<1x16xi32>
          tpu.vector_store %arg7[%swap3A, %swap3A_219], %swap3A_222 {strides = array<i32>} : memref<32x512xi32, #tpu.memory_space<vmem>>, vector<1x16xi32>,
          %mul3A_223 = arith.constant 128 : i32
          %mul3A_224 = arith.muli %sub3A_203, %mul3A_223 : i32
          %add3A_225 = arith.constant 16 : i32
          %add3A_226 = arith.addi %mul3A_224, %add3A_225 : i32
          %get3A_227 = arith.index_cast %add3A_164 : i32 to index
          %get3A_228 = arith.index_cast %sub3A_203 : i32 to index
          %get3A_229 = arith.constant 16 : index
          %get3A_230 = tpu.vector_load %arg5[%get3A_227, %get3A_228, %get3A_229] {strides = array<i32>} : memref<26x4x128xi32, #tpu.memory_space<vmem>>, vector<1x1x16xi32>,
          %get3A_231 = vector.shape_cast %get3A_230 : vector<1x1x16xi32> to vector<16xi32>
          %add3A_232 = vector.broadcast %mul3A_208 : i32 to vector<16xi32>
          %add3A_233 = arith.addi %get3A_231, %add3A_232 : vector<16xi32>
          %swap3A_234 = arith.index_cast %select_n3A : i32 to index
          %swap3A_235 = arith.index_cast %add3A_226 : i32 to index
          %swap3A_236 = tpu.vector_load %arg7[%swap3A_234, %swap3A_235] {strides = array<i32>} : memref<32x512xi32, #tpu.memory_space<vmem>>, vector<1x16xi32>,
          %swap3A_237 = vector.shape_cast %swap3A_236 : vector<1x16xi32> to vector<16xi32>
          %swap3A_238 = vector.shape_cast %add3A_233 : vector<16xi32> to vector<1x16xi32>
          tpu.vector_store %arg7[%swap3A_234, %swap3A_235], %swap3A_238 {strides = array<i32>} : memref<32x512xi32, #tpu.memory_space<vmem>>, vector<1x16xi32>,
          %mul3A_239 = arith.constant 128 : i32
          %mul3A_240 = arith.muli %sub3A_203, %mul3A_239 : i32
          %add3A_241 = arith.constant 32 : i32
          %add3A_242 = arith.addi %mul3A_240, %add3A_241 : i32
          %get3A_243 = arith.index_cast %add3A_164 : i32 to index
          %get3A_244 = arith.index_cast %sub3A_203 : i32 to index
          %get3A_245 = arith.constant 32 : index
          %get3A_246 = tpu.vector_load %arg5[%get3A_243, %get3A_244, %get3A_245] {strides = array<i32>} : memref<26x4x128xi32, #tpu.memory_space<vmem>>, vector<1x1x16xi32>,
          %get3A_247 = vector.shape_cast %get3A_246 : vector<1x1x16xi32> to vector<16xi32>
          %add3A_248 = vector.broadcast %mul3A_208 : i32 to vector<16xi32>
          %add3A_249 = arith.addi %get3A_247, %add3A_248 : vector<16xi32>
          %swap3A_250 = arith.index_cast %select_n3A : i32 to index
          %swap3A_251 = arith.index_cast %add3A_242 : i32 to index
          %swap3A_252 = tpu.vector_load %arg7[%swap3A_250, %swap3A_251] {strides = array<i32>} : memref<32x512xi32, #tpu.memory_space<vmem>>, vector<1x16xi32>,
          %swap3A_253 = vector.shape_cast %swap3A_252 : vector<1x16xi32> to vector<16xi32>
          %swap3A_254 = vector.shape_cast %add3A_249 : vector<16xi32> to vector<1x16xi32>
          tpu.vector_store %arg7[%swap3A_250, %swap3A_251], %swap3A_254 {strides = array<i32>} : memref<32x512xi32, #tpu.memory_space<vmem>>, vector<1x16xi32>,
          %mul3A_255 = arith.constant 128 : i32
          %mul3A_256 = arith.muli %sub3A_203, %mul3A_255 : i32
          %add3A_257 = arith.constant 48 : i32
          %add3A_258 = arith.addi %mul3A_256, %add3A_257 : i32
          %get3A_259 = arith.index_cast %add3A_164 : i32 to index
          %get3A_260 = arith.index_cast %sub3A_203 : i32 to index
          %get3A_261 = arith.constant 48 : index
          %get3A_262 = tpu.vector_load %arg5[%get3A_259, %get3A_260, %get3A_261] {strides = array<i32>} : memref<26x4x128xi32, #tpu.memory_space<vmem>>, vector<1x1x16xi32>,
          %get3A_263 = vector.shape_cast %get3A_262 : vector<1x1x16xi32> to vector<16xi32>
          %add3A_264 = vector.broadcast %mul3A_208 : i32 to vector<16xi32>
          %add3A_265 = arith.addi %get3A_263, %add3A_264 : vector<16xi32>
          %swap3A_266 = arith.index_cast %select_n3A : i32 to index
          %swap3A_267 = arith.index_cast %add3A_258 : i32 to index
          %swap3A_268 = tpu.vector_load %arg7[%swap3A_266, %swap3A_267] {strides = array<i32>} : memref<32x512xi32, #tpu.memory_space<vmem>>, vector<1x16xi32>,
          %swap3A_269 = vector.shape_cast %swap3A_268 : vector<1x16xi32> to vector<16xi32>
          %swap3A_270 = vector.shape_cast %add3A_265 : vector<16xi32> to vector<1x16xi32>
          tpu.vector_store %arg7[%swap3A_266, %swap3A_267], %swap3A_270 {strides = array<i32>} : memref<32x512xi32, #tpu.memory_space<vmem>>, vector<1x16xi32>,
          %mul3A_271 = arith.constant 128 : i32
          %mul3A_272 = arith.muli %sub3A_203, %mul3A_271 : i32
          %add3A_273 = arith.constant 64 : i32
          %add3A_274 = arith.addi %mul3A_272, %add3A_273 : i32
          %get3A_275 = arith.index_cast %add3A_164 : i32 to index
          %get3A_276 = arith.index_cast %sub3A_203 : i32 to index
          %get3A_277 = arith.constant 64 : index
          %get3A_278 = tpu.vector_load %arg5[%get3A_275, %get3A_276, %get3A_277] {strides = array<i32>} : memref<26x4x128xi32, #tpu.memory_space<vmem>>, vector<1x1x16xi32>,
          %get3A_279 = vector.shape_cast %get3A_278 : vector<1x1x16xi32> to vector<16xi32>
          %add3A_280 = vector.broadcast %mul3A_208 : i32 to vector<16xi32>
          %add3A_281 = arith.addi %get3A_279, %add3A_280 : vector<16xi32>
          %swap3A_282 = arith.index_cast %select_n3A : i32 to index
          %swap3A_283 = arith.index_cast %add3A_274 : i32 to index
          %swap3A_284 = tpu.vector_load %arg7[%swap3A_282, %swap3A_283] {strides = array<i32>} : memref<32x512xi32, #tpu.memory_space<vmem>>, vector<1x16xi32>,
          %swap3A_285 = vector.shape_cast %swap3A_284 : vector<1x16xi32> to vector<16xi32>
          %swap3A_286 = vector.shape_cast %add3A_281 : vector<16xi32> to vector<1x16xi32>
          tpu.vector_store %arg7[%swap3A_282, %swap3A_283], %swap3A_286 {strides = array<i32>} : memref<32x512xi32, #tpu.memory_space<vmem>>, vector<1x16xi32>,
          %mul3A_287 = arith.constant 128 : i32
          %mul3A_288 = arith.muli %sub3A_203, %mul3A_287 : i32
          %add3A_289 = arith.constant 80 : i32
          %add3A_290 = arith.addi %mul3A_288, %add3A_289 : i32
          %get3A_291 = arith.index_cast %add3A_164 : i32 to index
          %get3A_292 = arith.index_cast %sub3A_203 : i32 to index
          %get3A_293 = arith.constant 80 : index
          %get3A_294 = tpu.vector_load %arg5[%get3A_291, %get3A_292, %get3A_293] {strides = array<i32>} : memref<26x4x128xi32, #tpu.memory_space<vmem>>, vector<1x1x16xi32>,
          %get3A_295 = vector.shape_cast %get3A_294 : vector<1x1x16xi32> to vector<16xi32>
          %add3A_296 = vector.broadcast %mul3A_208 : i32 to vector<16xi32>
          %add3A_297 = arith.addi %get3A_295, %add3A_296 : vector<16xi32>
          %swap3A_298 = arith.index_cast %select_n3A : i32 to index
          %swap3A_299 = arith.index_cast %add3A_290 : i32 to index
          %swap3A_300 = tpu.vector_load %arg7[%swap3A_298, %swap3A_299] {strides = array<i32>} : memref<32x512xi32, #tpu.memory_space<vmem>>, vector<1x16xi32>,
          %swap3A_301 = vector.shape_cast %swap3A_300 : vector<1x16xi32> to vector<16xi32>
          %swap3A_302 = vector.shape_cast %add3A_297 : vector<16xi32> to vector<1x16xi32>
          tpu.vector_store %arg7[%swap3A_298, %swap3A_299], %swap3A_302 {strides = array<i32>} : memref<32x512xi32, #tpu.memory_space<vmem>>, vector<1x16xi32>,
          %mul3A_303 = arith.constant 128 : i32
          %mul3A_304 = arith.muli %sub3A_203, %mul3A_303 : i32
          %add3A_305 = arith.constant 96 : i32
          %add3A_306 = arith.addi %mul3A_304, %add3A_305 : i32
          %get3A_307 = arith.index_cast %add3A_164 : i32 to index
          %get3A_308 = arith.index_cast %sub3A_203 : i32 to index
          %get3A_309 = arith.constant 96 : index
          %get3A_310 = tpu.vector_load %arg5[%get3A_307, %get3A_308, %get3A_309] {strides = array<i32>} : memref<26x4x128xi32, #tpu.memory_space<vmem>>, vector<1x1x16xi32>,
          %get3A_311 = vector.shape_cast %get3A_310 : vector<1x1x16xi32> to vector<16xi32>
          %add3A_312 = vector.broadcast %mul3A_208 : i32 to vector<16xi32>
          %add3A_313 = arith.addi %get3A_311, %add3A_312 : vector<16xi32>
          %swap3A_314 = arith.index_cast %select_n3A : i32 to index
          %swap3A_315 = arith.index_cast %add3A_306 : i32 to index
          %swap3A_316 = tpu.vector_load %arg7[%swap3A_314, %swap3A_315] {strides = array<i32>} : memref<32x512xi32, #tpu.memory_space<vmem>>, vector<1x16xi32>,
          %swap3A_317 = vector.shape_cast %swap3A_316 : vector<1x16xi32> to vector<16xi32>
          %swap3A_318 = vector.shape_cast %add3A_313 : vector<16xi32> to vector<1x16xi32>
          tpu.vector_store %arg7[%swap3A_314, %swap3A_315], %swap3A_318 {strides = array<i32>} : memref<32x512xi32, #tpu.memory_space<vmem>>, vector<1x16xi32>,
          %mul3A_319 = arith.constant 128 : i32
          %mul3A_320 = arith.muli %sub3A_203, %mul3A_319 : i32
          %add3A_321 = arith.constant 112 : i32
          %add3A_322 = arith.addi %mul3A_320, %add3A_321 : i32
          %get3A_323 = arith.index_cast %add3A_164 : i32 to index
          %get3A_324 = arith.index_cast %sub3A_203 : i32 to index
          %get3A_325 = arith.constant 112 : index
          %get3A_326 = tpu.vector_load %arg5[%get3A_323, %get3A_324, %get3A_325] {strides = array<i32>} : memref<26x4x128xi32, #tpu.memory_space<vmem>>, vector<1x1x16xi32>,
          %get3A_327 = vector.shape_cast %get3A_326 : vector<1x1x16xi32> to vector<16xi32>
          %add3A_328 = vector.broadcast %mul3A_208 : i32 to vector<16xi32>
          %add3A_329 = arith.addi %get3A_327, %add3A_328 : vector<16xi32>
          %swap3A_330 = arith.index_cast %select_n3A : i32 to index
          %swap3A_331 = arith.index_cast %add3A_322 : i32 to index
          %swap3A_332 = tpu.vector_load %arg7[%swap3A_330, %swap3A_331] {strides = array<i32>} : memref<32x512xi32, #tpu.memory_space<vmem>>, vector<1x16xi32>,
          %swap3A_333 = vector.shape_cast %swap3A_332 : vector<1x16xi32> to vector<16xi32>
          %swap3A_334 = vector.shape_cast %add3A_329 : vector<16xi32> to vector<1x16xi32>
          tpu.vector_store %arg7[%swap3A_330, %swap3A_331], %swap3A_334 {strides = array<i32>} : memref<32x512xi32, #tpu.memory_space<vmem>>, vector<1x16xi32>,
          %scan3A_335 = arith.constant 0 : i32
          scf.yield %scan3A_335 : i32
        }
        %scan3A_171 = arith.constant 128 : i32
        %ge3A = arith.constant 2 : i32
        %ge3A_172 = arith.cmpi sge, %add3A_106, %ge3A : i32
        %convert_element_type3A_173 = arith.extui %ge3A_172 : i1 to i32
        %cond3A_174 = arith.constant 0 : i32
        %cond3A_175 = arith.cmpi ne, %convert_element_type3A_173, %cond3A_174 : i32
        scf.if %cond3A_175 {
          %dma_wait3A_183 = arith.constant 0 : i32
          %dma_wait3A_184 = tpu.memref_slice %arg4[%dma_wait3A_183, %mul3A_2] : memref<832x16384xf32, #tpu.memory_space<hbm>> -> memref<32x512xf32, #tpu.memory_space<hbm>>
          %dma_wait3A_185 = arith.constant 0 : i32
          %dma_wait3A_186 = tpu.memref_slice %arg4[%dma_wait3A_185, %mul3A_2] : memref<832x16384xf32, #tpu.memory_space<hbm>> -> memref<32x512xf32, #tpu.memory_space<hbm>>
          tpu.wait_dma2 semaphore(%arg18 : memref<!tpu.dma_semaphore, #tpu.memory_space<semaphore_mem>>) src(%arg11 : memref<32x512xf32, #tpu.memory_space<vmem>>) dst(%dma_wait3A_186 : memref<32x512xf32, #tpu.memory_space<hbm>>)
        } else {
        }
        %scan3A_176 = arith.constant 0 : i32
        %scan3A_177 = arith.constant 0 : i32
        %scan3A_178 = arith.constant 32 : i32
        %scan3A_179 = arith.addi %scan3A_177, %scan3A_178 : i32
        %scan3A_180 = arith.constant 1 : i32
        %scan3A_181 = scf.for %scan3A_183 = %scan3A_177 to %scan3A_179 step %scan3A_180 iter_args(%scan3A_184 = %scan3A_176) -> (i32)  : i32 {
          %dma_start3A_185 = arith.constant 0 : i32
          %dma_start3A_186 = tpu.memref_slice %arg11[%scan3A_183, %dma_start3A_185] : memref<32x512xf32, #tpu.memory_space<vmem>> -> memref<1x512xf32, #tpu.memory_space<vmem>>
          %dma_start3A_187 = tpu.memref_squeeze %dma_start3A_186 : memref<1x512xf32, #tpu.memory_space<vmem>> -> memref<512xf32, #tpu.memory_space<vmem>>
          %dma_start3A_188 = arith.constant 0 : i32
          %dma_start3A_189 = tpu.memref_slice %arg7[%scan3A_183, %dma_start3A_188] : memref<32x512xi32, #tpu.memory_space<vmem>> -> memref<1x512xi32, #tpu.memory_space<vmem>>
          %dma_start3A_190 = tpu.memref_squeeze %dma_start3A_189 : memref<1x512xi32, #tpu.memory_space<vmem>> -> memref<512xi32, #tpu.memory_space<vmem>>
          %dma_start3A_191 = arith.constant 0 : i32
          %dma_start3A_192 = tpu.memref_slice %arg3[%dma_start3A_191] : memref<83200000xf32, #tpu.memory_space<hbm>> -> memref<83200000xf32, #tpu.memory_space<hbm>>
          tpu.enqueue_indirect_dma source(%dma_start3A_192 : memref<83200000xf32, #tpu.memory_space<hbm>>) target(%dma_start3A_187 : memref<512xf32, #tpu.memory_space<vmem>>) offsets(%dma_start3A_190 : memref<512xi32, #tpu.memory_space<vmem>>) semaphore(%arg14 : memref<!tpu.dma_semaphore, #tpu.memory_space<semaphore_mem>>)
          %scan3A_193 = arith.constant 0 : i32
          scf.yield %scan3A_193 : i32
        }
        %scan3A_182 = arith.constant 32 : i32
      } else {
      }
      %mul3A_120 = arith.constant 32 : i32
      %mul3A_121 = arith.muli %add3A_106, %mul3A_120 : i32
      %dma_start3A_122 = tpu.memref_slice %arg4[%mul3A_121, %mul3A_2] : memref<832x16384xf32, #tpu.memory_space<hbm>> -> memref<32x512xf32, #tpu.memory_space<hbm>>
      %dma_start3A_123 = tpu.memref_slice %arg4[%mul3A_121, %mul3A_2] : memref<832x16384xf32, #tpu.memory_space<hbm>> -> memref<32x512xf32, #tpu.memory_space<hbm>>
      tpu.enqueue_dma source(%arg9 : memref<32x512xf32, #tpu.memory_space<vmem>>) target(%dma_start3A_123 : memref<32x512xf32, #tpu.memory_space<hbm>>) target_semaphore(%arg16 : memref<!tpu.dma_semaphore, #tpu.memory_space<semaphore_mem>>)
      %add3A_124 = arith.constant 2 : i32
      %add3A_125 = arith.addi %mul3A_88, %add3A_124 : i32
      %dma_wait3A_126 = arith.constant 0 : i32
      %dma_wait3A_127 = arith.constant 0 : i32
      %dma_wait3A_128 = tpu.memref_slice %arg4[%dma_wait3A_126, %dma_wait3A_127] : memref<832x16384xf32, #tpu.memory_space<hbm>> -> memref<32x512xf32, #tpu.memory_space<hbm>>
      %dma_wait3A_129 = arith.constant 0 : i32
      %dma_wait3A_130 = arith.constant 0 : i32
      %dma_wait3A_131 = tpu.memref_slice %arg4[%dma_wait3A_129, %dma_wait3A_130] : memref<832x16384xf32, #tpu.memory_space<hbm>> -> memref<32x512xf32, #tpu.memory_space<hbm>>
      tpu.wait_dma2 semaphore(%arg13 : memref<!tpu.dma_semaphore, #tpu.memory_space<semaphore_mem>>) src(%dma_wait3A_131 : memref<32x512xf32, #tpu.memory_space<hbm>>) dst(%arg8 : memref<32x512xf32, #tpu.memory_space<vmem>>)
      %add3A_132 = arith.constant 2 : i32
      %add3A_133 = arith.addi %add3A_125, %add3A_132 : i32
      %lt3A_134 = arith.constant 26 : i32
      %lt3A_135 = arith.cmpi slt, %add3A_133, %lt3A_134 : i32
      %convert_element_type3A_136 = arith.extui %lt3A_135 : i1 to i32
      %cond3A_137 = arith.constant 0 : i32
      %cond3A_138 = arith.cmpi ne, %convert_element_type3A_136, %cond3A_137 : i32
      scf.if %cond3A_138 {
        %add3A_163 = arith.constant 2 : i32
        %add3A_164 = arith.addi %add3A_125, %add3A_163 : i32
        %scan3A_165 = arith.constant 0 : i32
        %scan3A_166 = arith.constant 0 : i32
        %scan3A_167 = arith.constant 128 : i32
        %scan3A_168 = arith.addi %scan3A_166, %scan3A_167 : i32
        %scan3A_169 = arith.constant 1 : i32
        %scan3A_170 = scf.for %scan3A_183 = %scan3A_166 to %scan3A_168 step %scan3A_169 iter_args(%scan3A_184 = %scan3A_165) -> (i32)  : i32 {
          %jit3A = arith.constant 4 : i32
          %div3A = arith.divsi %scan3A_183, %jit3A : i32
          %sign3A = arith.constant 0 : i32
          %sign3A_185 = arith.cmpi sgt, %scan3A_183, %sign3A : i32
          %sign3A_186 = arith.extui %sign3A_185 : i1 to i32
          %sign3A_187 = arith.constant 0 : i32
          %sign3A_188 = arith.cmpi slt, %scan3A_183, %sign3A_187 : i32
          %sign3A_189 = arith.extui %sign3A_188 : i1 to i32
          %sign3A_190 = arith.subi %sign3A_186, %sign3A_189 : i32
          %sign3A_191 = arith.constant 0 : i32
          %sign3A_192 = arith.cmpi sgt, %jit3A, %sign3A_191 : i32
          %sign3A_193 = arith.extui %sign3A_192 : i1 to i32
          %sign3A_194 = arith.constant 0 : i32
          %sign3A_195 = arith.cmpi slt, %jit3A, %sign3A_194 : i32
          %sign3A_196 = arith.extui %sign3A_195 : i1 to i32
          %sign3A_197 = arith.subi %sign3A_193, %sign3A_196 : i32
          %ne3A = arith.cmpi ne, %sign3A_190, %sign3A_197 : i32
          %rem3A = arith.remsi %scan3A_183, %jit3A : i32
          %ne3A_198 = arith.constant 0 : i32
          %ne3A_199 = arith.cmpi ne, %rem3A, %ne3A_198 : i32
          %and3A = arith.andi %ne3A, %ne3A_199 : i1
          %sub3A = arith.constant 1 : i32
          %sub3A_200 = arith.subi %div3A, %sub3A : i32
          %select_n3A = arith.select %and3A, %sub3A_200, %div3A : i32
          %mul3A_201 = arith.constant 4 : i32
          %mul3A_202 = arith.muli %select_n3A, %mul3A_201 : i32
          %sub3A_203 = arith.subi %scan3A_183, %mul3A_202 : i32
          %mul3A_204 = arith.constant 32 : i32
          %mul3A_205 = arith.muli %add3A_164, %mul3A_204 : i32
          %add3A_206 = arith.addi %mul3A_205, %select_n3A : i32
          %mul3A_207 = arith.constant 100000 : i32
          %mul3A_208 = arith.muli %add3A_206, %mul3A_207 : i32
          %mul3A_209 = arith.constant 128 : i32
          %mul3A_210 = arith.muli %sub3A_203, %mul3A_209 : i32
          %add3A_211 = arith.constant 0 : i32
          %add3A_212 = arith.addi %mul3A_210, %add3A_211 : i32
          %get3A = arith.index_cast %add3A_164 : i32 to index
          %get3A_213 = arith.index_cast %sub3A_203 : i32 to index
          %get3A_214 = arith.constant 0 : index
          %get3A_215 = tpu.vector_load %arg5[%get3A, %get3A_213, %get3A_214] {strides = array<i32>} : memref<26x4x128xi32, #tpu.memory_space<vmem>>, vector<1x1x16xi32>,
          %get3A_216 = vector.shape_cast %get3A_215 : vector<1x1x16xi32> to vector<16xi32>
          %add3A_217 = vector.broadcast %mul3A_208 : i32 to vector<16xi32>
          %add3A_218 = arith.addi %get3A_216, %add3A_217 : vector<16xi32>
          %swap3A = arith.index_cast %select_n3A : i32 to index
          %swap3A_219 = arith.index_cast %add3A_212 : i32 to index
          %swap3A_220 = tpu.vector_load %arg6[%swap3A, %swap3A_219] {strides = array<i32>} : memref<32x512xi32, #tpu.memory_space<vmem>>, vector<1x16xi32>,
          %swap3A_221 = vector.shape_cast %swap3A_220 : vector<1x16xi32> to vector<16xi32>
          %swap3A_222 = vector.shape_cast %add3A_218 : vector<16xi32> to vector<1x16xi32>
          tpu.vector_store %arg6[%swap3A, %swap3A_219], %swap3A_222 {strides = array<i32>} : memref<32x512xi32, #tpu.memory_space<vmem>>, vector<1x16xi32>,
          %mul3A_223 = arith.constant 128 : i32
          %mul3A_224 = arith.muli %sub3A_203, %mul3A_223 : i32
          %add3A_225 = arith.constant 16 : i32
          %add3A_226 = arith.addi %mul3A_224, %add3A_225 : i32
          %get3A_227 = arith.index_cast %add3A_164 : i32 to index
          %get3A_228 = arith.index_cast %sub3A_203 : i32 to index
          %get3A_229 = arith.constant 16 : index
          %get3A_230 = tpu.vector_load %arg5[%get3A_227, %get3A_228, %get3A_229] {strides = array<i32>} : memref<26x4x128xi32, #tpu.memory_space<vmem>>, vector<1x1x16xi32>,
          %get3A_231 = vector.shape_cast %get3A_230 : vector<1x1x16xi32> to vector<16xi32>
          %add3A_232 = vector.broadcast %mul3A_208 : i32 to vector<16xi32>
          %add3A_233 = arith.addi %get3A_231, %add3A_232 : vector<16xi32>
          %swap3A_234 = arith.index_cast %select_n3A : i32 to index
          %swap3A_235 = arith.index_cast %add3A_226 : i32 to index
          %swap3A_236 = tpu.vector_load %arg6[%swap3A_234, %swap3A_235] {strides = array<i32>} : memref<32x512xi32, #tpu.memory_space<vmem>>, vector<1x16xi32>,
          %swap3A_237 = vector.shape_cast %swap3A_236 : vector<1x16xi32> to vector<16xi32>
          %swap3A_238 = vector.shape_cast %add3A_233 : vector<16xi32> to vector<1x16xi32>
          tpu.vector_store %arg6[%swap3A_234, %swap3A_235], %swap3A_238 {strides = array<i32>} : memref<32x512xi32, #tpu.memory_space<vmem>>, vector<1x16xi32>,
          %mul3A_239 = arith.constant 128 : i32
          %mul3A_240 = arith.muli %sub3A_203, %mul3A_239 : i32
          %add3A_241 = arith.constant 32 : i32
          %add3A_242 = arith.addi %mul3A_240, %add3A_241 : i32
          %get3A_243 = arith.index_cast %add3A_164 : i32 to index
          %get3A_244 = arith.index_cast %sub3A_203 : i32 to index
          %get3A_245 = arith.constant 32 : index
          %get3A_246 = tpu.vector_load %arg5[%get3A_243, %get3A_244, %get3A_245] {strides = array<i32>} : memref<26x4x128xi32, #tpu.memory_space<vmem>>, vector<1x1x16xi32>,
          %get3A_247 = vector.shape_cast %get3A_246 : vector<1x1x16xi32> to vector<16xi32>
          %add3A_248 = vector.broadcast %mul3A_208 : i32 to vector<16xi32>
          %add3A_249 = arith.addi %get3A_247, %add3A_248 : vector<16xi32>
          %swap3A_250 = arith.index_cast %select_n3A : i32 to index
          %swap3A_251 = arith.index_cast %add3A_242 : i32 to index
          %swap3A_252 = tpu.vector_load %arg6[%swap3A_250, %swap3A_251] {strides = array<i32>} : memref<32x512xi32, #tpu.memory_space<vmem>>, vector<1x16xi32>,
          %swap3A_253 = vector.shape_cast %swap3A_252 : vector<1x16xi32> to vector<16xi32>
          %swap3A_254 = vector.shape_cast %add3A_249 : vector<16xi32> to vector<1x16xi32>
          tpu.vector_store %arg6[%swap3A_250, %swap3A_251], %swap3A_254 {strides = array<i32>} : memref<32x512xi32, #tpu.memory_space<vmem>>, vector<1x16xi32>,
          %mul3A_255 = arith.constant 128 : i32
          %mul3A_256 = arith.muli %sub3A_203, %mul3A_255 : i32
          %add3A_257 = arith.constant 48 : i32
          %add3A_258 = arith.addi %mul3A_256, %add3A_257 : i32
          %get3A_259 = arith.index_cast %add3A_164 : i32 to index
          %get3A_260 = arith.index_cast %sub3A_203 : i32 to index
          %get3A_261 = arith.constant 48 : index
          %get3A_262 = tpu.vector_load %arg5[%get3A_259, %get3A_260, %get3A_261] {strides = array<i32>} : memref<26x4x128xi32, #tpu.memory_space<vmem>>, vector<1x1x16xi32>,
          %get3A_263 = vector.shape_cast %get3A_262 : vector<1x1x16xi32> to vector<16xi32>
          %add3A_264 = vector.broadcast %mul3A_208 : i32 to vector<16xi32>
          %add3A_265 = arith.addi %get3A_263, %add3A_264 : vector<16xi32>
          %swap3A_266 = arith.index_cast %select_n3A : i32 to index
          %swap3A_267 = arith.index_cast %add3A_258 : i32 to index
          %swap3A_268 = tpu.vector_load %arg6[%swap3A_266, %swap3A_267] {strides = array<i32>} : memref<32x512xi32, #tpu.memory_space<vmem>>, vector<1x16xi32>,
          %swap3A_269 = vector.shape_cast %swap3A_268 : vector<1x16xi32> to vector<16xi32>
          %swap3A_270 = vector.shape_cast %add3A_265 : vector<16xi32> to vector<1x16xi32>
          tpu.vector_store %arg6[%swap3A_266, %swap3A_267], %swap3A_270 {strides = array<i32>} : memref<32x512xi32, #tpu.memory_space<vmem>>, vector<1x16xi32>,
          %mul3A_271 = arith.constant 128 : i32
          %mul3A_272 = arith.muli %sub3A_203, %mul3A_271 : i32
          %add3A_273 = arith.constant 64 : i32
          %add3A_274 = arith.addi %mul3A_272, %add3A_273 : i32
          %get3A_275 = arith.index_cast %add3A_164 : i32 to index
          %get3A_276 = arith.index_cast %sub3A_203 : i32 to index
          %get3A_277 = arith.constant 64 : index
          %get3A_278 = tpu.vector_load %arg5[%get3A_275, %get3A_276, %get3A_277] {strides = array<i32>} : memref<26x4x128xi32, #tpu.memory_space<vmem>>, vector<1x1x16xi32>,
          %get3A_279 = vector.shape_cast %get3A_278 : vector<1x1x16xi32> to vector<16xi32>
          %add3A_280 = vector.broadcast %mul3A_208 : i32 to vector<16xi32>
          %add3A_281 = arith.addi %get3A_279, %add3A_280 : vector<16xi32>
          %swap3A_282 = arith.index_cast %select_n3A : i32 to index
          %swap3A_283 = arith.index_cast %add3A_274 : i32 to index
          %swap3A_284 = tpu.vector_load %arg6[%swap3A_282, %swap3A_283] {strides = array<i32>} : memref<32x512xi32, #tpu.memory_space<vmem>>, vector<1x16xi32>,
          %swap3A_285 = vector.shape_cast %swap3A_284 : vector<1x16xi32> to vector<16xi32>
          %swap3A_286 = vector.shape_cast %add3A_281 : vector<16xi32> to vector<1x16xi32>
          tpu.vector_store %arg6[%swap3A_282, %swap3A_283], %swap3A_286 {strides = array<i32>} : memref<32x512xi32, #tpu.memory_space<vmem>>, vector<1x16xi32>,
          %mul3A_287 = arith.constant 128 : i32
          %mul3A_288 = arith.muli %sub3A_203, %mul3A_287 : i32
          %add3A_289 = arith.constant 80 : i32
          %add3A_290 = arith.addi %mul3A_288, %add3A_289 : i32
          %get3A_291 = arith.index_cast %add3A_164 : i32 to index
          %get3A_292 = arith.index_cast %sub3A_203 : i32 to index
          %get3A_293 = arith.constant 80 : index
          %get3A_294 = tpu.vector_load %arg5[%get3A_291, %get3A_292, %get3A_293] {strides = array<i32>} : memref<26x4x128xi32, #tpu.memory_space<vmem>>, vector<1x1x16xi32>,
          %get3A_295 = vector.shape_cast %get3A_294 : vector<1x1x16xi32> to vector<16xi32>
          %add3A_296 = vector.broadcast %mul3A_208 : i32 to vector<16xi32>
          %add3A_297 = arith.addi %get3A_295, %add3A_296 : vector<16xi32>
          %swap3A_298 = arith.index_cast %select_n3A : i32 to index
          %swap3A_299 = arith.index_cast %add3A_290 : i32 to index
          %swap3A_300 = tpu.vector_load %arg6[%swap3A_298, %swap3A_299] {strides = array<i32>} : memref<32x512xi32, #tpu.memory_space<vmem>>, vector<1x16xi32>,
          %swap3A_301 = vector.shape_cast %swap3A_300 : vector<1x16xi32> to vector<16xi32>
          %swap3A_302 = vector.shape_cast %add3A_297 : vector<16xi32> to vector<1x16xi32>
          tpu.vector_store %arg6[%swap3A_298, %swap3A_299], %swap3A_302 {strides = array<i32>} : memref<32x512xi32, #tpu.memory_space<vmem>>, vector<1x16xi32>,
          %mul3A_303 = arith.constant 128 : i32
          %mul3A_304 = arith.muli %sub3A_203, %mul3A_303 : i32
          %add3A_305 = arith.constant 96 : i32
          %add3A_306 = arith.addi %mul3A_304, %add3A_305 : i32
          %get3A_307 = arith.index_cast %add3A_164 : i32 to index
          %get3A_308 = arith.index_cast %sub3A_203 : i32 to index
          %get3A_309 = arith.constant 96 : index
          %get3A_310 = tpu.vector_load %arg5[%get3A_307, %get3A_308, %get3A_309] {strides = array<i32>} : memref<26x4x128xi32, #tpu.memory_space<vmem>>, vector<1x1x16xi32>,
          %get3A_311 = vector.shape_cast %get3A_310 : vector<1x1x16xi32> to vector<16xi32>
          %add3A_312 = vector.broadcast %mul3A_208 : i32 to vector<16xi32>
          %add3A_313 = arith.addi %get3A_311, %add3A_312 : vector<16xi32>
          %swap3A_314 = arith.index_cast %select_n3A : i32 to index
          %swap3A_315 = arith.index_cast %add3A_306 : i32 to index
          %swap3A_316 = tpu.vector_load %arg6[%swap3A_314, %swap3A_315] {strides = array<i32>} : memref<32x512xi32, #tpu.memory_space<vmem>>, vector<1x16xi32>,
          %swap3A_317 = vector.shape_cast %swap3A_316 : vector<1x16xi32> to vector<16xi32>
          %swap3A_318 = vector.shape_cast %add3A_313 : vector<16xi32> to vector<1x16xi32>
          tpu.vector_store %arg6[%swap3A_314, %swap3A_315], %swap3A_318 {strides = array<i32>} : memref<32x512xi32, #tpu.memory_space<vmem>>, vector<1x16xi32>,
          %mul3A_319 = arith.constant 128 : i32
          %mul3A_320 = arith.muli %sub3A_203, %mul3A_319 : i32
          %add3A_321 = arith.constant 112 : i32
          %add3A_322 = arith.addi %mul3A_320, %add3A_321 : i32
          %get3A_323 = arith.index_cast %add3A_164 : i32 to index
          %get3A_324 = arith.index_cast %sub3A_203 : i32 to index
          %get3A_325 = arith.constant 112 : index
          %get3A_326 = tpu.vector_load %arg5[%get3A_323, %get3A_324, %get3A_325] {strides = array<i32>} : memref<26x4x128xi32, #tpu.memory_space<vmem>>, vector<1x1x16xi32>,
          %get3A_327 = vector.shape_cast %get3A_326 : vector<1x1x16xi32> to vector<16xi32>
          %add3A_328 = vector.broadcast %mul3A_208 : i32 to vector<16xi32>
          %add3A_329 = arith.addi %get3A_327, %add3A_328 : vector<16xi32>
          %swap3A_330 = arith.index_cast %select_n3A : i32 to index
          %swap3A_331 = arith.index_cast %add3A_322 : i32 to index
          %swap3A_332 = tpu.vector_load %arg6[%swap3A_330, %swap3A_331] {strides = array<i32>} : memref<32x512xi32, #tpu.memory_space<vmem>>, vector<1x16xi32>,
          %swap3A_333 = vector.shape_cast %swap3A_332 : vector<1x16xi32> to vector<16xi32>
          %swap3A_334 = vector.shape_cast %add3A_329 : vector<16xi32> to vector<1x16xi32>
          tpu.vector_store %arg6[%swap3A_330, %swap3A_331], %swap3A_334 {strides = array<i32>} : memref<32x512xi32, #tpu.memory_space<vmem>>, vector<1x16xi32>,
          %scan3A_335 = arith.constant 0 : i32
          scf.yield %scan3A_335 : i32
        }
        %scan3A_171 = arith.constant 128 : i32
        %ge3A = arith.constant 2 : i32
        %ge3A_172 = arith.cmpi sge, %add3A_125, %ge3A : i32
        %convert_element_type3A_173 = arith.extui %ge3A_172 : i1 to i32
        %cond3A_174 = arith.constant 0 : i32
        %cond3A_175 = arith.cmpi ne, %convert_element_type3A_173, %cond3A_174 : i32
        scf.if %cond3A_175 {
          %dma_wait3A_183 = arith.constant 0 : i32
          %dma_wait3A_184 = tpu.memref_slice %arg4[%dma_wait3A_183, %mul3A_2] : memref<832x16384xf32, #tpu.memory_space<hbm>> -> memref<32x512xf32, #tpu.memory_space<hbm>>
          %dma_wait3A_185 = arith.constant 0 : i32
          %dma_wait3A_186 = tpu.memref_slice %arg4[%dma_wait3A_185, %mul3A_2] : memref<832x16384xf32, #tpu.memory_space<hbm>> -> memref<32x512xf32, #tpu.memory_space<hbm>>
          tpu.wait_dma2 semaphore(%arg15 : memref<!tpu.dma_semaphore, #tpu.memory_space<semaphore_mem>>) src(%arg8 : memref<32x512xf32, #tpu.memory_space<vmem>>) dst(%dma_wait3A_186 : memref<32x512xf32, #tpu.memory_space<hbm>>)
        } else {
        }
        %scan3A_176 = arith.constant 0 : i32
        %scan3A_177 = arith.constant 0 : i32
        %scan3A_178 = arith.constant 32 : i32
        %scan3A_179 = arith.addi %scan3A_177, %scan3A_178 : i32
        %scan3A_180 = arith.constant 1 : i32
        %scan3A_181 = scf.for %scan3A_183 = %scan3A_177 to %scan3A_179 step %scan3A_180 iter_args(%scan3A_184 = %scan3A_176) -> (i32)  : i32 {
          %dma_start3A_185 = arith.constant 0 : i32
          %dma_start3A_186 = tpu.memref_slice %arg8[%scan3A_183, %dma_start3A_185] : memref<32x512xf32, #tpu.memory_space<vmem>> -> memref<1x512xf32, #tpu.memory_space<vmem>>
          %dma_start3A_187 = tpu.memref_squeeze %dma_start3A_186 : memref<1x512xf32, #tpu.memory_space<vmem>> -> memref<512xf32, #tpu.memory_space<vmem>>
          %dma_start3A_188 = arith.constant 0 : i32
          %dma_start3A_189 = tpu.memref_slice %arg6[%scan3A_183, %dma_start3A_188] : memref<32x512xi32, #tpu.memory_space<vmem>> -> memref<1x512xi32, #tpu.memory_space<vmem>>
          %dma_start3A_190 = tpu.memref_squeeze %dma_start3A_189 : memref<1x512xi32, #tpu.memory_space<vmem>> -> memref<512xi32, #tpu.memory_space<vmem>>
          %dma_start3A_191 = arith.constant 0 : i32
          %dma_start3A_192 = tpu.memref_slice %arg3[%dma_start3A_191] : memref<83200000xf32, #tpu.memory_space<hbm>> -> memref<83200000xf32, #tpu.memory_space<hbm>>
          tpu.enqueue_indirect_dma source(%dma_start3A_192 : memref<83200000xf32, #tpu.memory_space<hbm>>) target(%dma_start3A_187 : memref<512xf32, #tpu.memory_space<vmem>>) offsets(%dma_start3A_190 : memref<512xi32, #tpu.memory_space<vmem>>) semaphore(%arg13 : memref<!tpu.dma_semaphore, #tpu.memory_space<semaphore_mem>>)
          %scan3A_193 = arith.constant 0 : i32
          scf.yield %scan3A_193 : i32
        }
        %scan3A_182 = arith.constant 32 : i32
      } else {
      }
      %mul3A_139 = arith.constant 32 : i32
      %mul3A_140 = arith.muli %add3A_125, %mul3A_139 : i32
      %dma_start3A_141 = tpu.memref_slice %arg4[%mul3A_140, %mul3A_2] : memref<832x16384xf32, #tpu.memory_space<hbm>> -> memref<32x512xf32, #tpu.memory_space<hbm>>
      %dma_start3A_142 = tpu.memref_slice %arg4[%mul3A_140, %mul3A_2] : memref<832x16384xf32, #tpu.memory_space<hbm>> -> memref<32x512xf32, #tpu.memory_space<hbm>>
      tpu.enqueue_dma source(%arg10 : memref<32x512xf32, #tpu.memory_space<vmem>>) target(%dma_start3A_142 : memref<32x512xf32, #tpu.memory_space<hbm>>) target_semaphore(%arg17 : memref<!tpu.dma_semaphore, #tpu.memory_space<semaphore_mem>>)
      %add3A_143 = arith.constant 3 : i32
      %add3A_144 = arith.addi %mul3A_88, %add3A_143 : i32
      %dma_wait3A_145 = arith.constant 0 : i32
      %dma_wait3A_146 = arith.constant 0 : i32
      %dma_wait3A_147 = tpu.memref_slice %arg4[%dma_wait3A_145, %dma_wait3A_146] : memref<832x16384xf32, #tpu.memory_space<hbm>> -> memref<32x512xf32, #tpu.memory_space<hbm>>
      %dma_wait3A_148 = arith.constant 0 : i32
      %dma_wait3A_149 = arith.constant 0 : i32
      %dma_wait3A_150 = tpu.memref_slice %arg4[%dma_wait3A_148, %dma_wait3A_149] : memref<832x16384xf32, #tpu.memory_space<hbm>> -> memref<32x512xf32, #tpu.memory_space<hbm>>
      tpu.wait_dma2 semaphore(%arg14 : memref<!tpu.dma_semaphore, #tpu.memory_space<semaphore_mem>>) src(%dma_wait3A_150 : memref<32x512xf32, #tpu.memory_space<hbm>>) dst(%arg8 : memref<32x512xf32, #tpu.memory_space<vmem>>)
      %add3A_151 = arith.constant 2 : i32
      %add3A_152 = arith.addi %add3A_144, %add3A_151 : i32
      %lt3A_153 = arith.constant 26 : i32
      %lt3A_154 = arith.cmpi slt, %add3A_152, %lt3A_153 : i32
      %convert_element_type3A_155 = arith.extui %lt3A_154 : i1 to i32
      %cond3A_156 = arith.constant 0 : i32
      %cond3A_157 = arith.cmpi ne, %convert_element_type3A_155, %cond3A_156 : i32
      scf.if %cond3A_157 {
        %add3A_163 = arith.constant 2 : i32
        %add3A_164 = arith.addi %add3A_144, %add3A_163 : i32
        %scan3A_165 = arith.constant 0 : i32
        %scan3A_166 = arith.constant 0 : i32
        %scan3A_167 = arith.constant 128 : i32
        %scan3A_168 = arith.addi %scan3A_166, %scan3A_167 : i32
        %scan3A_169 = arith.constant 1 : i32
        %scan3A_170 = scf.for %scan3A_183 = %scan3A_166 to %scan3A_168 step %scan3A_169 iter_args(%scan3A_184 = %scan3A_165) -> (i32)  : i32 {
          %jit3A = arith.constant 4 : i32
          %div3A = arith.divsi %scan3A_183, %jit3A : i32
          %sign3A = arith.constant 0 : i32
          %sign3A_185 = arith.cmpi sgt, %scan3A_183, %sign3A : i32
          %sign3A_186 = arith.extui %sign3A_185 : i1 to i32
          %sign3A_187 = arith.constant 0 : i32
          %sign3A_188 = arith.cmpi slt, %scan3A_183, %sign3A_187 : i32
          %sign3A_189 = arith.extui %sign3A_188 : i1 to i32
          %sign3A_190 = arith.subi %sign3A_186, %sign3A_189 : i32
          %sign3A_191 = arith.constant 0 : i32
          %sign3A_192 = arith.cmpi sgt, %jit3A, %sign3A_191 : i32
          %sign3A_193 = arith.extui %sign3A_192 : i1 to i32
          %sign3A_194 = arith.constant 0 : i32
          %sign3A_195 = arith.cmpi slt, %jit3A, %sign3A_194 : i32
          %sign3A_196 = arith.extui %sign3A_195 : i1 to i32
          %sign3A_197 = arith.subi %sign3A_193, %sign3A_196 : i32
          %ne3A = arith.cmpi ne, %sign3A_190, %sign3A_197 : i32
          %rem3A = arith.remsi %scan3A_183, %jit3A : i32
          %ne3A_198 = arith.constant 0 : i32
          %ne3A_199 = arith.cmpi ne, %rem3A, %ne3A_198 : i32
          %and3A = arith.andi %ne3A, %ne3A_199 : i1
          %sub3A = arith.constant 1 : i32
          %sub3A_200 = arith.subi %div3A, %sub3A : i32
          %select_n3A = arith.select %and3A, %sub3A_200, %div3A : i32
          %mul3A_201 = arith.constant 4 : i32
          %mul3A_202 = arith.muli %select_n3A, %mul3A_201 : i32
          %sub3A_203 = arith.subi %scan3A_183, %mul3A_202 : i32
          %mul3A_204 = arith.constant 32 : i32
          %mul3A_205 = arith.muli %add3A_164, %mul3A_204 : i32
          %add3A_206 = arith.addi %mul3A_205, %select_n3A : i32
          %mul3A_207 = arith.constant 100000 : i32
          %mul3A_208 = arith.muli %add3A_206, %mul3A_207 : i32
          %mul3A_209 = arith.constant 128 : i32
          %mul3A_210 = arith.muli %sub3A_203, %mul3A_209 : i32
          %add3A_211 = arith.constant 0 : i32
          %add3A_212 = arith.addi %mul3A_210, %add3A_211 : i32
          %get3A = arith.index_cast %add3A_164 : i32 to index
          %get3A_213 = arith.index_cast %sub3A_203 : i32 to index
          %get3A_214 = arith.constant 0 : index
          %get3A_215 = tpu.vector_load %arg5[%get3A, %get3A_213, %get3A_214] {strides = array<i32>} : memref<26x4x128xi32, #tpu.memory_space<vmem>>, vector<1x1x16xi32>,
          %get3A_216 = vector.shape_cast %get3A_215 : vector<1x1x16xi32> to vector<16xi32>
          %add3A_217 = vector.broadcast %mul3A_208 : i32 to vector<16xi32>
          %add3A_218 = arith.addi %get3A_216, %add3A_217 : vector<16xi32>
          %swap3A = arith.index_cast %select_n3A : i32 to index
          %swap3A_219 = arith.index_cast %add3A_212 : i32 to index
          %swap3A_220 = tpu.vector_load %arg7[%swap3A, %swap3A_219] {strides = array<i32>} : memref<32x512xi32, #tpu.memory_space<vmem>>, vector<1x16xi32>,
          %swap3A_221 = vector.shape_cast %swap3A_220 : vector<1x16xi32> to vector<16xi32>
          %swap3A_222 = vector.shape_cast %add3A_218 : vector<16xi32> to vector<1x16xi32>
          tpu.vector_store %arg7[%swap3A, %swap3A_219], %swap3A_222 {strides = array<i32>} : memref<32x512xi32, #tpu.memory_space<vmem>>, vector<1x16xi32>,
          %mul3A_223 = arith.constant 128 : i32
          %mul3A_224 = arith.muli %sub3A_203, %mul3A_223 : i32
          %add3A_225 = arith.constant 16 : i32
          %add3A_226 = arith.addi %mul3A_224, %add3A_225 : i32
          %get3A_227 = arith.index_cast %add3A_164 : i32 to index
          %get3A_228 = arith.index_cast %sub3A_203 : i32 to index
          %get3A_229 = arith.constant 16 : index
          %get3A_230 = tpu.vector_load %arg5[%get3A_227, %get3A_228, %get3A_229] {strides = array<i32>} : memref<26x4x128xi32, #tpu.memory_space<vmem>>, vector<1x1x16xi32>,
          %get3A_231 = vector.shape_cast %get3A_230 : vector<1x1x16xi32> to vector<16xi32>
          %add3A_232 = vector.broadcast %mul3A_208 : i32 to vector<16xi32>
          %add3A_233 = arith.addi %get3A_231, %add3A_232 : vector<16xi32>
          %swap3A_234 = arith.index_cast %select_n3A : i32 to index
          %swap3A_235 = arith.index_cast %add3A_226 : i32 to index
          %swap3A_236 = tpu.vector_load %arg7[%swap3A_234, %swap3A_235] {strides = array<i32>} : memref<32x512xi32, #tpu.memory_space<vmem>>, vector<1x16xi32>,
          %swap3A_237 = vector.shape_cast %swap3A_236 : vector<1x16xi32> to vector<16xi32>
          %swap3A_238 = vector.shape_cast %add3A_233 : vector<16xi32> to vector<1x16xi32>
          tpu.vector_store %arg7[%swap3A_234, %swap3A_235], %swap3A_238 {strides = array<i32>} : memref<32x512xi32, #tpu.memory_space<vmem>>, vector<1x16xi32>,
          %mul3A_239 = arith.constant 128 : i32
          %mul3A_240 = arith.muli %sub3A_203, %mul3A_239 : i32
          %add3A_241 = arith.constant 32 : i32
          %add3A_242 = arith.addi %mul3A_240, %add3A_241 : i32
          %get3A_243 = arith.index_cast %add3A_164 : i32 to index
          %get3A_244 = arith.index_cast %sub3A_203 : i32 to index
          %get3A_245 = arith.constant 32 : index
          %get3A_246 = tpu.vector_load %arg5[%get3A_243, %get3A_244, %get3A_245] {strides = array<i32>} : memref<26x4x128xi32, #tpu.memory_space<vmem>>, vector<1x1x16xi32>,
          %get3A_247 = vector.shape_cast %get3A_246 : vector<1x1x16xi32> to vector<16xi32>
          %add3A_248 = vector.broadcast %mul3A_208 : i32 to vector<16xi32>
          %add3A_249 = arith.addi %get3A_247, %add3A_248 : vector<16xi32>
          %swap3A_250 = arith.index_cast %select_n3A : i32 to index
          %swap3A_251 = arith.index_cast %add3A_242 : i32 to index
          %swap3A_252 = tpu.vector_load %arg7[%swap3A_250, %swap3A_251] {strides = array<i32>} : memref<32x512xi32, #tpu.memory_space<vmem>>, vector<1x16xi32>,
          %swap3A_253 = vector.shape_cast %swap3A_252 : vector<1x16xi32> to vector<16xi32>
          %swap3A_254 = vector.shape_cast %add3A_249 : vector<16xi32> to vector<1x16xi32>
          tpu.vector_store %arg7[%swap3A_250, %swap3A_251], %swap3A_254 {strides = array<i32>} : memref<32x512xi32, #tpu.memory_space<vmem>>, vector<1x16xi32>,
          %mul3A_255 = arith.constant 128 : i32
          %mul3A_256 = arith.muli %sub3A_203, %mul3A_255 : i32
          %add3A_257 = arith.constant 48 : i32
          %add3A_258 = arith.addi %mul3A_256, %add3A_257 : i32
          %get3A_259 = arith.index_cast %add3A_164 : i32 to index
          %get3A_260 = arith.index_cast %sub3A_203 : i32 to index
          %get3A_261 = arith.constant 48 : index
          %get3A_262 = tpu.vector_load %arg5[%get3A_259, %get3A_260, %get3A_261] {strides = array<i32>} : memref<26x4x128xi32, #tpu.memory_space<vmem>>, vector<1x1x16xi32>,
          %get3A_263 = vector.shape_cast %get3A_262 : vector<1x1x16xi32> to vector<16xi32>
          %add3A_264 = vector.broadcast %mul3A_208 : i32 to vector<16xi32>
          %add3A_265 = arith.addi %get3A_263, %add3A_264 : vector<16xi32>
          %swap3A_266 = arith.index_cast %select_n3A : i32 to index
          %swap3A_267 = arith.index_cast %add3A_258 : i32 to index
          %swap3A_268 = tpu.vector_load %arg7[%swap3A_266, %swap3A_267] {strides = array<i32>} : memref<32x512xi32, #tpu.memory_space<vmem>>, vector<1x16xi32>,
          %swap3A_269 = vector.shape_cast %swap3A_268 : vector<1x16xi32> to vector<16xi32>
          %swap3A_270 = vector.shape_cast %add3A_265 : vector<16xi32> to vector<1x16xi32>
          tpu.vector_store %arg7[%swap3A_266, %swap3A_267], %swap3A_270 {strides = array<i32>} : memref<32x512xi32, #tpu.memory_space<vmem>>, vector<1x16xi32>,
          %mul3A_271 = arith.constant 128 : i32
          %mul3A_272 = arith.muli %sub3A_203, %mul3A_271 : i32
          %add3A_273 = arith.constant 64 : i32
          %add3A_274 = arith.addi %mul3A_272, %add3A_273 : i32
          %get3A_275 = arith.index_cast %add3A_164 : i32 to index
          %get3A_276 = arith.index_cast %sub3A_203 : i32 to index
          %get3A_277 = arith.constant 64 : index
          %get3A_278 = tpu.vector_load %arg5[%get3A_275, %get3A_276, %get3A_277] {strides = array<i32>} : memref<26x4x128xi32, #tpu.memory_space<vmem>>, vector<1x1x16xi32>,
          %get3A_279 = vector.shape_cast %get3A_278 : vector<1x1x16xi32> to vector<16xi32>
          %add3A_280 = vector.broadcast %mul3A_208 : i32 to vector<16xi32>
          %add3A_281 = arith.addi %get3A_279, %add3A_280 : vector<16xi32>
          %swap3A_282 = arith.index_cast %select_n3A : i32 to index
          %swap3A_283 = arith.index_cast %add3A_274 : i32 to index
          %swap3A_284 = tpu.vector_load %arg7[%swap3A_282, %swap3A_283] {strides = array<i32>} : memref<32x512xi32, #tpu.memory_space<vmem>>, vector<1x16xi32>,
          %swap3A_285 = vector.shape_cast %swap3A_284 : vector<1x16xi32> to vector<16xi32>
          %swap3A_286 = vector.shape_cast %add3A_281 : vector<16xi32> to vector<1x16xi32>
          tpu.vector_store %arg7[%swap3A_282, %swap3A_283], %swap3A_286 {strides = array<i32>} : memref<32x512xi32, #tpu.memory_space<vmem>>, vector<1x16xi32>,
          %mul3A_287 = arith.constant 128 : i32
          %mul3A_288 = arith.muli %sub3A_203, %mul3A_287 : i32
          %add3A_289 = arith.constant 80 : i32
          %add3A_290 = arith.addi %mul3A_288, %add3A_289 : i32
          %get3A_291 = arith.index_cast %add3A_164 : i32 to index
          %get3A_292 = arith.index_cast %sub3A_203 : i32 to index
          %get3A_293 = arith.constant 80 : index
          %get3A_294 = tpu.vector_load %arg5[%get3A_291, %get3A_292, %get3A_293] {strides = array<i32>} : memref<26x4x128xi32, #tpu.memory_space<vmem>>, vector<1x1x16xi32>,
          %get3A_295 = vector.shape_cast %get3A_294 : vector<1x1x16xi32> to vector<16xi32>
          %add3A_296 = vector.broadcast %mul3A_208 : i32 to vector<16xi32>
          %add3A_297 = arith.addi %get3A_295, %add3A_296 : vector<16xi32>
          %swap3A_298 = arith.index_cast %select_n3A : i32 to index
          %swap3A_299 = arith.index_cast %add3A_290 : i32 to index
          %swap3A_300 = tpu.vector_load %arg7[%swap3A_298, %swap3A_299] {strides = array<i32>} : memref<32x512xi32, #tpu.memory_space<vmem>>, vector<1x16xi32>,
          %swap3A_301 = vector.shape_cast %swap3A_300 : vector<1x16xi32> to vector<16xi32>
          %swap3A_302 = vector.shape_cast %add3A_297 : vector<16xi32> to vector<1x16xi32>
          tpu.vector_store %arg7[%swap3A_298, %swap3A_299], %swap3A_302 {strides = array<i32>} : memref<32x512xi32, #tpu.memory_space<vmem>>, vector<1x16xi32>,
          %mul3A_303 = arith.constant 128 : i32
          %mul3A_304 = arith.muli %sub3A_203, %mul3A_303 : i32
          %add3A_305 = arith.constant 96 : i32
          %add3A_306 = arith.addi %mul3A_304, %add3A_305 : i32
          %get3A_307 = arith.index_cast %add3A_164 : i32 to index
          %get3A_308 = arith.index_cast %sub3A_203 : i32 to index
          %get3A_309 = arith.constant 96 : index
          %get3A_310 = tpu.vector_load %arg5[%get3A_307, %get3A_308, %get3A_309] {strides = array<i32>} : memref<26x4x128xi32, #tpu.memory_space<vmem>>, vector<1x1x16xi32>,
          %get3A_311 = vector.shape_cast %get3A_310 : vector<1x1x16xi32> to vector<16xi32>
          %add3A_312 = vector.broadcast %mul3A_208 : i32 to vector<16xi32>
          %add3A_313 = arith.addi %get3A_311, %add3A_312 : vector<16xi32>
          %swap3A_314 = arith.index_cast %select_n3A : i32 to index
          %swap3A_315 = arith.index_cast %add3A_306 : i32 to index
          %swap3A_316 = tpu.vector_load %arg7[%swap3A_314, %swap3A_315] {strides = array<i32>} : memref<32x512xi32, #tpu.memory_space<vmem>>, vector<1x16xi32>,
          %swap3A_317 = vector.shape_cast %swap3A_316 : vector<1x16xi32> to vector<16xi32>
          %swap3A_318 = vector.shape_cast %add3A_313 : vector<16xi32> to vector<1x16xi32>
          tpu.vector_store %arg7[%swap3A_314, %swap3A_315], %swap3A_318 {strides = array<i32>} : memref<32x512xi32, #tpu.memory_space<vmem>>, vector<1x16xi32>,
          %mul3A_319 = arith.constant 128 : i32
          %mul3A_320 = arith.muli %sub3A_203, %mul3A_319 : i32
          %add3A_321 = arith.constant 112 : i32
          %add3A_322 = arith.addi %mul3A_320, %add3A_321 : i32
          %get3A_323 = arith.index_cast %add3A_164 : i32 to index
          %get3A_324 = arith.index_cast %sub3A_203 : i32 to index
          %get3A_325 = arith.constant 112 : index
          %get3A_326 = tpu.vector_load %arg5[%get3A_323, %get3A_324, %get3A_325] {strides = array<i32>} : memref<26x4x128xi32, #tpu.memory_space<vmem>>, vector<1x1x16xi32>,
          %get3A_327 = vector.shape_cast %get3A_326 : vector<1x1x16xi32> to vector<16xi32>
          %add3A_328 = vector.broadcast %mul3A_208 : i32 to vector<16xi32>
          %add3A_329 = arith.addi %get3A_327, %add3A_328 : vector<16xi32>
          %swap3A_330 = arith.index_cast %select_n3A : i32 to index
          %swap3A_331 = arith.index_cast %add3A_322 : i32 to index
          %swap3A_332 = tpu.vector_load %arg7[%swap3A_330, %swap3A_331] {strides = array<i32>} : memref<32x512xi32, #tpu.memory_space<vmem>>, vector<1x16xi32>,
          %swap3A_333 = vector.shape_cast %swap3A_332 : vector<1x16xi32> to vector<16xi32>
          %swap3A_334 = vector.shape_cast %add3A_329 : vector<16xi32> to vector<1x16xi32>
          tpu.vector_store %arg7[%swap3A_330, %swap3A_331], %swap3A_334 {strides = array<i32>} : memref<32x512xi32, #tpu.memory_space<vmem>>, vector<1x16xi32>,
          %scan3A_335 = arith.constant 0 : i32
          scf.yield %scan3A_335 : i32
        }
        %scan3A_171 = arith.constant 128 : i32
        %ge3A = arith.constant 2 : i32
        %ge3A_172 = arith.cmpi sge, %add3A_144, %ge3A : i32
        %convert_element_type3A_173 = arith.extui %ge3A_172 : i1 to i32
        %cond3A_174 = arith.constant 0 : i32
        %cond3A_175 = arith.cmpi ne, %convert_element_type3A_173, %cond3A_174 : i32
        scf.if %cond3A_175 {
          %dma_wait3A_183 = arith.constant 0 : i32
          %dma_wait3A_184 = tpu.memref_slice %arg4[%dma_wait3A_183, %mul3A_2] : memref<832x16384xf32, #tpu.memory_space<hbm>> -> memref<32x512xf32, #tpu.memory_space<hbm>>
          %dma_wait3A_185 = arith.constant 0 : i32
          %dma_wait3A_186 = tpu.memref_slice %arg4[%dma_wait3A_185, %mul3A_2] : memref<832x16384xf32, #tpu.memory_space<hbm>> -> memref<32x512xf32, #tpu.memory_space<hbm>>
          tpu.wait_dma2 semaphore(%arg16 : memref<!tpu.dma_semaphore, #tpu.memory_space<semaphore_mem>>) src(%arg9 : memref<32x512xf32, #tpu.memory_space<vmem>>) dst(%dma_wait3A_186 : memref<32x512xf32, #tpu.memory_space<hbm>>)
        } else {
        }
        %scan3A_176 = arith.constant 0 : i32
        %scan3A_177 = arith.constant 0 : i32
        %scan3A_178 = arith.constant 32 : i32
        %scan3A_179 = arith.addi %scan3A_177, %scan3A_178 : i32
        %scan3A_180 = arith.constant 1 : i32
        %scan3A_181 = scf.for %scan3A_183 = %scan3A_177 to %scan3A_179 step %scan3A_180 iter_args(%scan3A_184 = %scan3A_176) -> (i32)  : i32 {
          %dma_start3A_185 = arith.constant 0 : i32
          %dma_start3A_186 = tpu.memref_slice %arg9[%scan3A_183, %dma_start3A_185] : memref<32x512xf32, #tpu.memory_space<vmem>> -> memref<1x512xf32, #tpu.memory_space<vmem>>
          %dma_start3A_187 = tpu.memref_squeeze %dma_start3A_186 : memref<1x512xf32, #tpu.memory_space<vmem>> -> memref<512xf32, #tpu.memory_space<vmem>>
          %dma_start3A_188 = arith.constant 0 : i32
          %dma_start3A_189 = tpu.memref_slice %arg7[%scan3A_183, %dma_start3A_188] : memref<32x512xi32, #tpu.memory_space<vmem>> -> memref<1x512xi32, #tpu.memory_space<vmem>>
          %dma_start3A_190 = tpu.memref_squeeze %dma_start3A_189 : memref<1x512xi32, #tpu.memory_space<vmem>> -> memref<512xi32, #tpu.memory_space<vmem>>
          %dma_start3A_191 = arith.constant 0 : i32
          %dma_start3A_192 = tpu.memref_slice %arg3[%dma_start3A_191] : memref<83200000xf32, #tpu.memory_space<hbm>> -> memref<83200000xf32, #tpu.memory_space<hbm>>
          tpu.enqueue_indirect_dma source(%dma_start3A_192 : memref<83200000xf32, #tpu.memory_space<hbm>>) target(%dma_start3A_187 : memref<512xf32, #tpu.memory_space<vmem>>) offsets(%dma_start3A_190 : memref<512xi32, #tpu.memory_space<vmem>>) semaphore(%arg14 : memref<!tpu.dma_semaphore, #tpu.memory_space<semaphore_mem>>)
          %scan3A_193 = arith.constant 0 : i32
          scf.yield %scan3A_193 : i32
        }
        %scan3A_182 = arith.constant 32 : i32
      } else {
      }
      %mul3A_158 = arith.constant 32 : i32
      %mul3A_159 = arith.muli %add3A_144, %mul3A_158 : i32
      %dma_start3A_160 = tpu.memref_slice %arg4[%mul3A_159, %mul3A_2] : memref<832x16384xf32, #tpu.memory_space<hbm>> -> memref<32x512xf32, #tpu.memory_space<hbm>>
      %dma_start3A_161 = tpu.memref_slice %arg4[%mul3A_159, %mul3A_2] : memref<832x16384xf32, #tpu.memory_space<hbm>> -> memref<32x512xf32, #tpu.memory_space<hbm>>
      tpu.enqueue_dma source(%arg11 : memref<32x512xf32, #tpu.memory_space<vmem>>) target(%dma_start3A_161 : memref<32x512xf32, #tpu.memory_space<hbm>>) target_semaphore(%arg18 : memref<!tpu.dma_semaphore, #tpu.memory_space<semaphore_mem>>)
      %scan3A_162 = arith.constant 0 : i32
      scf.yield %scan3A_162 : i32
    }
    %scan3A_50 = arith.constant 6 : i32
    %dma_wait3A = arith.constant 0 : i32
    %dma_wait3A_51 = arith.constant 0 : i32
    %dma_wait3A_52 = tpu.memref_slice %arg4[%dma_wait3A, %dma_wait3A_51] : memref<832x16384xf32, #tpu.memory_space<hbm>> -> memref<32x512xf32, #tpu.memory_space<hbm>>
    %dma_wait3A_53 = arith.constant 0 : i32
    %dma_wait3A_54 = arith.constant 0 : i32
    %dma_wait3A_55 = tpu.memref_slice %arg4[%dma_wait3A_53, %dma_wait3A_54] : memref<832x16384xf32, #tpu.memory_space<hbm>> -> memref<32x512xf32, #tpu.memory_space<hbm>>
    tpu.wait_dma2 semaphore(%arg13 : memref<!tpu.dma_semaphore, #tpu.memory_space<semaphore_mem>>) src(%dma_wait3A_55 : memref<32x512xf32, #tpu.memory_space<hbm>>) dst(%arg8 : memref<32x512xf32, #tpu.memory_space<vmem>>)
    %dma_start3A = arith.constant 768 : i32
    %dma_start3A_56 = tpu.memref_slice %arg4[%dma_start3A, %mul3A_2] : memref<832x16384xf32, #tpu.memory_space<hbm>> -> memref<32x512xf32, #tpu.memory_space<hbm>>
    %dma_start3A_57 = arith.constant 768 : i32
    %dma_start3A_58 = tpu.memref_slice %arg4[%dma_start3A_57, %mul3A_2] : memref<832x16384xf32, #tpu.memory_space<hbm>> -> memref<32x512xf32, #tpu.memory_space<hbm>>
    tpu.enqueue_dma source(%arg8 : memref<32x512xf32, #tpu.memory_space<vmem>>) target(%dma_start3A_58 : memref<32x512xf32, #tpu.memory_space<hbm>>) target_semaphore(%arg15 : memref<!tpu.dma_semaphore, #tpu.memory_space<semaphore_mem>>)
    %dma_wait3A_59 = arith.constant 0 : i32
    %dma_wait3A_60 = arith.constant 0 : i32
    %dma_wait3A_61 = tpu.memref_slice %arg4[%dma_wait3A_59, %dma_wait3A_60] : memref<832x16384xf32, #tpu.memory_space<hbm>> -> memref<32x512xf32, #tpu.memory_space<hbm>>
    %dma_wait3A_62 = arith.constant 0 : i32
    %dma_wait3A_63 = arith.constant 0 : i32
    %dma_wait3A_64 = tpu.memref_slice %arg4[%dma_wait3A_62, %dma_wait3A_63] : memref<832x16384xf32, #tpu.memory_space<hbm>> -> memref<32x512xf32, #tpu.memory_space<hbm>>
    tpu.wait_dma2 semaphore(%arg14 : memref<!tpu.dma_semaphore, #tpu.memory_space<semaphore_mem>>) src(%dma_wait3A_64 : memref<32x512xf32, #tpu.memory_space<hbm>>) dst(%arg8 : memref<32x512xf32, #tpu.memory_space<vmem>>)
    %dma_start3A_65 = arith.constant 800 : i32
    %dma_start3A_66 = tpu.memref_slice %arg4[%dma_start3A_65, %mul3A_2] : memref<832x16384xf32, #tpu.memory_space<hbm>> -> memref<32x512xf32, #tpu.memory_space<hbm>>
    %dma_start3A_67 = arith.constant 800 : i32
    %dma_start3A_68 = tpu.memref_slice %arg4[%dma_start3A_67, %mul3A_2] : memref<832x16384xf32, #tpu.memory_space<hbm>> -> memref<32x512xf32, #tpu.memory_space<hbm>>
    tpu.enqueue_dma source(%arg9 : memref<32x512xf32, #tpu.memory_space<vmem>>) target(%dma_start3A_68 : memref<32x512xf32, #tpu.memory_space<hbm>>) target_semaphore(%arg16 : memref<!tpu.dma_semaphore, #tpu.memory_space<semaphore_mem>>)
    %dma_wait3A_69 = arith.constant 0 : i32
    %dma_wait3A_70 = tpu.memref_slice %arg4[%dma_wait3A_69, %mul3A_2] : memref<832x16384xf32, #tpu.memory_space<hbm>> -> memref<32x512xf32, #tpu.memory_space<hbm>>
    %dma_wait3A_71 = arith.constant 0 : i32
    %dma_wait3A_72 = tpu.memref_slice %arg4[%dma_wait3A_71, %mul3A_2] : memref<832x16384xf32, #tpu.memory_space<hbm>> -> memref<32x512xf32, #tpu.memory_space<hbm>>
    tpu.wait_dma2 semaphore(%arg15 : memref<!tpu.dma_semaphore, #tpu.memory_space<semaphore_mem>>) src(%arg8 : memref<32x512xf32, #tpu.memory_space<vmem>>) dst(%dma_wait3A_72 : memref<32x512xf32, #tpu.memory_space<hbm>>)
    %dma_wait3A_73 = arith.constant 0 : i32
    %dma_wait3A_74 = tpu.memref_slice %arg4[%dma_wait3A_73, %mul3A_2] : memref<832x16384xf32, #tpu.memory_space<hbm>> -> memref<32x512xf32, #tpu.memory_space<hbm>>
    %dma_wait3A_75 = arith.constant 0 : i32
    %dma_wait3A_76 = tpu.memref_slice %arg4[%dma_wait3A_75, %mul3A_2] : memref<832x16384xf32, #tpu.memory_space<hbm>> -> memref<32x512xf32, #tpu.memory_space<hbm>>
    tpu.wait_dma2 semaphore(%arg16 : memref<!tpu.dma_semaphore, #tpu.memory_space<semaphore_mem>>) src(%arg9 : memref<32x512xf32, #tpu.memory_space<vmem>>) dst(%dma_wait3A_76 : memref<32x512xf32, #tpu.memory_space<hbm>>)
    %dma_wait3A_77 = arith.constant 0 : i32
    %dma_wait3A_78 = tpu.memref_slice %arg4[%dma_wait3A_77, %mul3A_2] : memref<832x16384xf32, #tpu.memory_space<hbm>> -> memref<32x512xf32, #tpu.memory_space<hbm>>
    %dma_wait3A_79 = arith.constant 0 : i32
    %dma_wait3A_80 = tpu.memref_slice %arg4[%dma_wait3A_79, %mul3A_2] : memref<832x16384xf32, #tpu.memory_space<hbm>> -> memref<32x512xf32, #tpu.memory_space<hbm>>
    tpu.wait_dma2 semaphore(%arg17 : memref<!tpu.dma_semaphore, #tpu.memory_space<semaphore_mem>>) src(%arg10 : memref<32x512xf32, #tpu.memory_space<vmem>>) dst(%dma_wait3A_80 : memref<32x512xf32, #tpu.memory_space<hbm>>)
    %dma_wait3A_81 = arith.constant 0 : i32
    %dma_wait3A_82 = tpu.memref_slice %arg4[%dma_wait3A_81, %mul3A_2] : memref<832x16384xf32, #tpu.memory_space<hbm>> -> memref<32x512xf32, #tpu.memory_space<hbm>>
    %dma_wait3A_83 = arith.constant 0 : i32
    %dma_wait3A_84 = tpu.memref_slice %arg4[%dma_wait3A_83, %mul3A_2] : memref<832x16384xf32, #tpu.memory_space<hbm>> -> memref<32x512xf32, #tpu.memory_space<hbm>>
    tpu.wait_dma2 semaphore(%arg18 : memref<!tpu.dma_semaphore, #tpu.memory_space<semaphore_mem>>) src(%arg11 : memref<32x512xf32, #tpu.memory_space<vmem>>) dst(%dma_wait3A_84 : memref<32x512xf32, #tpu.memory_space<hbm>>)
    return
  }
}

</mosaic_0001>

<sc_bundles>
// kernel: kernel.3.cloned.1.call-start
scs
__scs_entry_jumppad:
0x0: {  	(pc) =	sbr.rel $0x88, $3  }
0x1: {  	(tag) =	ssettag $0x0;
	lr =	simm.s32 $0x1  }
0x2: {  	[smem:$0x3F9F] =	sst lr;
	_ =	strace $0xD0000000  }
0x3: {  	_ = 	snop  }
0x4: {  	_ = 	snop  }
0x5: {  	_ = 	snop  }
0x6: {  	_ = 	snop  }
0x7: {  	_ = 	snop  }
__scs_overlays_trampoline_lowered:
0x8: {  	[smem:$0x3FAE] =	sst s0  }
0x9: {  	[smem:$0x3FAF] =	sst s1  }
0xa: {  	[smem:$0x3FB0] =	sst s2  }
0xb: {  	[smem:$0x3FB1] =	sst s3  }
0xc: {  	[smem:$0x3FB2] =	sst s4  }
0xd: {  	[smem:$0x3FB3] =	sst s5  }
0xe: {  	[smem:$0x3FB4] =	sst s6  }
0xf: {  	[smem:$0x3FB5] =	sst s7  }
0x10: {  	[smem:$0x3FB6] =	sst s8  }
0x11: {  	[smem:$0x3FB7] =	sst s9;
	s0 =	simm.s32 @!p0 $0x0  }
0x12: {  	s1 =	sld [smem:$0x3F9D];
	s0 =	simm.s32 @p0 $0x1  }
0x13: {  	[smem:$0x3FB8] =	sst s0;
	s0 =	simm.s32 @!p1 $0x0  }
0x14: {  	s2 =	sld [smem:$0x3F9C];
	s0 =	simm.s32 @p1 $0x1  }
0x15: {  	[smem:$0x3FB9] =	sst s0;
	s0 =	simm.s32 @!p2 $0x0  }
0x16: {  	s3 =	sld [smem:$0x3FDB];
	s0 =	simm.s32 @p2 $0x1  }
0x17: {  	s4 =	simm.s32 $0x1BF5;
	[smem:$0x3FBB] =	sst s0  }
0x18: {  	s0 =	sld [smem:$0x3F9E];
	_ =	swait.ge [sflag:s4], $0x0  }
0x19: {  	s7 =	sld [smem:$0x3F9F]  }
0x1a: {  	s8 =	sadd.s32 $0xFFFFE003, lr  }
0x1b: {  	s9 =	sadd.s32 $0xFFFFFEF7, lr;
	s5 =	simm.s32 $0xFFFFFFFF;
	p2 =	slt.u32 s8, $0xFFFFF086  }
0x1c: {  	p1 =	slt.u32 s9, $0xF7A;
	s5 =	simm.s32 @!p2 $0x0  }
0x1d: {  	s5 =	simm.s32 @p1 $0x1;
	p0 =	seq.s32 s7, s2  }
0x1e: {  	s7 =	smul.u32 @!p0 $0xF7A, s2;
	p2 =	seq.s32 @!p0 s5, $0x0  }
0x1f: {  	s9 =	smul.u32 $0xF7A, s1;
	s8 =	simm.s32 @!p0 $0x1BF5;
	p2 =	por !p2, p0  }
0x20: {  	[sflag:s8] =	ssyncset.s32 @!p0 $0xFFFFF086;
	s6 =	sadd.s32 @!p0 s3, s7;
	s7 =	simm.s32 @!p0 $0x108  }
0x21: {  	s3 =	sadd.s32 s3, s9;
	s6 =	sadd.s32 @!p0 $0x88, s6;
	s7 =	simm.s32 @p2 $0x1082  }
0x22: {  	[simem:s7], [sflag:s8] =	dma.local @!p0 [hbm:s6], $0xF7A  }
0x23: {  	s9 =	sor.u32 $0xD0000000, s2;
	s6 =	simm.s32 $0x108;
	_ =	swait.ge @!p0 [sflag:s8], $0x0  }
0x24: {  	s3 =	sadd.s32 $0x88, s3;
	s6 =	simm.s32 @!p1 $0x1082;
	[sflag:s4] =	ssyncset.s32 $0xFFFFF086  }
0x25: {  	[simem:s6], [sflag:s4] =	dma.local [hbm:s3], $0xF7A  }
0x26: {  	[smem:$0x3F9F] =	sst s1;
	(tag) =	ssettag s2;
	_ =	strace s9  }
0x27: {  	s1 =	sld [smem:$0x3FAF]  }
0x28: {  	s2 =	sld [smem:$0x3FB0]  }
0x29: {  	s4 =	sld [smem:$0x3FB2]  }
0x2a: {  	p0 =	seq.s32 s5, $0x0;
	s5 =	sld [smem:$0x3FB3]  }
0x2b: {  	s6 =	sld [smem:$0x3FB4]  }
0x2c: {  	s7 =	sld [smem:$0x3FB5]  }
0x2d: {  	s3 =	simm.s32 $0x108;
	s8 =	sld [smem:$0x3FB6]  }
0x2e: {  	s3 =	simm.s32 @!p0 $0x1082;
	s9 =	sld [smem:$0x3FB7]  }
0x2f: {  	lr =	sadd.s32 s0, s3;
	s0 =	sld [smem:$0x3FAE]  }
0x30: {  	s3 =	sld [smem:$0x3FB1]  }
0x31: {  	[smem:$0x3FBA] =	sst s10  }
0x32: {  	s10 =	sld [smem:$0x3FB8];
	_ =	sdelay $0x3  }
0x33: {  	p0 =	seq.s32 s10, $0x1;
	s10 =	sld [smem:$0x3FBA];
	_ =	sdelay $0x3  }
0x34: {  	[smem:$0x3FBA] =	sst s10  }
0x35: {  	s10 =	sld [smem:$0x3FB9];
	_ =	sdelay $0x3  }
0x36: {  	p1 =	seq.s32 s10, $0x1;
	s10 =	sld [smem:$0x3FBA];
	_ =	sdelay $0x3  }
0x37: {  	[smem:$0x3FBA] =	sst s10  }
0x38: {  	s10 =	sld [smem:$0x3FBB]  }
0x39: {  	_ = 	snop;
	(pc) =	sbr.ind lr, $3  }
0x3a: {  	_ = 	snop  }
0x3b: {  	_ = 	snop  }
0x3c: {  	p2 =	seq.s32 s10, $0x1;
	s10 =	sld [smem:$0x3FBA]  }
0x3d: {  	_ =	shalt  }
0x3e: {  	_ =	shalt  }
0x3f: {  	_ =	shalt  }
0x40: {  	_ =	shalt  }
0x41: {  	_ =	shalt  }
0x42: {  	_ =	shalt  }
0x43: {  	_ =	shalt  }
0x44: {  	_ =	shalt  }
0x45: {  	_ =	shalt  }
0x46: {  	_ =	shalt  }
0x47: {  	_ =	shalt  }
0x48: {  	_ =	shalt  }
0x49: {  	_ =	shalt  }
0x4a: {  	_ =	shalt  }
0x4b: {  	_ =	shalt  }
0x4c: {  	_ =	shalt  }
0x4d: {  	_ =	shalt  }
0x4e: {  	_ =	shalt  }
0x4f: {  	_ =	shalt  }
0x50: {  	_ =	shalt  }
0x51: {  	_ =	shalt  }
0x52: {  	_ =	shalt  }
0x53: {  	_ =	shalt  }
0x54: {  	_ =	shalt  }
0x55: {  	_ =	shalt  }
0x56: {  	_ =	shalt  }
0x57: {  	_ =	shalt  }
0x58: {  	_ =	shalt  }
0x59: {  	_ =	shalt  }
0x5a: {  	_ =	shalt  }
0x5b: {  	_ =	shalt  }
0x5c: {  	_ =	shalt  }
0x5d: {  	_ =	shalt  }
0x5e: {  	_ =	shalt  }
0x5f: {  	_ =	shalt  }
0x60: {  	_ =	shalt  }
0x61: {  	_ =	shalt  }
0x62: {  	_ =	shalt  }
0x63: {  	_ =	shalt  }
0x64: {  	_ =	shalt  }
0x65: {  	_ =	shalt  }
0x66: {  	_ =	shalt  }
0x67: {  	_ =	shalt  }
0x68: {  	_ =	shalt  }
0x69: {  	_ =	shalt  }
0x6a: {  	_ =	shalt  }
0x6b: {  	_ =	shalt  }
0x6c: {  	_ =	shalt  }
0x6d: {  	_ =	shalt  }
0x6e: {  	_ =	shalt  }
0x6f: {  	_ =	shalt  }
0x70: {  	_ =	shalt  }
0x71: {  	_ =	shalt  }
0x72: {  	_ =	shalt  }
0x73: {  	_ =	shalt  }
0x74: {  	_ =	shalt  }
0x75: {  	_ =	shalt  }
0x76: {  	_ =	shalt  }
0x77: {  	_ =	shalt  }
0x78: {  	_ =	shalt  }
0x79: {  	_ =	shalt  }
0x7a: {  	_ =	shalt  }
0x7b: {  	_ =	shalt  }
0x7c: {  	_ =	shalt  }
0x7d: {  	_ =	shalt  }
0x7e: {  	_ =	shalt  }
0x7f: {  	_ =	shalt  }
0x80: {  	_ =	shalt  }
0x81: {  	_ =	shalt  }
0x82: {  	_ =	shalt  }
0x83: {  	_ =	shalt  }
0x84: {  	_ =	shalt  }
0x85: {  	_ =	shalt  }
0x86: {  	_ =	shalt  }
0x87: {  	_ =	shalt  }
.Lfunc_end0:
.L_simem_size_0:
called_computation_lowered:
.L_overlay_start_0:
0x88: {  	s2 =	sld [smem:$0x3FD9]  }
0x89: {  	s3 =	sld [smem:$0x3FFE];
	_ =	sdelay $0x1  }
0x8a: {  	s1 =	srdreg.scid  }
0x8b: {  	s0 =	sand.u32 $0x1, s1  }
0x8c: {  	s17 =	sshll.u32 s0, $0xA;
	s2 =	sadd.s32 s3, s2  }
0x8d: {  	s2 =	sadd.s32 s2, s17  }
0x8e: {  	[smem:$0x3FC6] =	sst s2  }
0x8f: {  	_ = 	snop  }
0x90: {  	s2 =	sld [smem:$0x3FD0];
	(tm) =	ssettm $0x1  }
0x91: {  	s18 =	sld [smem:$0x3FFB];
	_ =	sdelay $0x3  }
0x92: {  	_ =	strace s18  }
0x93: {  	s3 =	sld [smem:$0x3FFC];
	_ =	sdelay $0x3  }
0x94: {  	_ =	strace s3  }
0x95: {  	s3 =	sld [smem:$0x3FFD];
	_ =	sdelay $0x3  }
0x96: {  	_ =	strace s3  }
0x97: {  	_ =	strace $0x8FFFFFFF  }
0x98: {  	s19 =	sld [smem:$0x3FDB];
	_ =	sdelay $0x1  }
0x99: {  	s4 =	simm.s32 $_scs_section_size  }
0x9a: {  	s5 =	simm.s32 $_size__tile_overlayer_lowered;
	s6 =	simm.s32 $_tile_overlayer_lowered  }
0x9b: {  	s22 =	simm.s32 $0x1BFF;
	s21 =	sshll.u32 s6, $0x1;
	s3 =	sadd.s32 s4, s19  }
0x9c: {  	s7 =	simm.s32 $0x0;
	s20 =	sshll.u32 s5, $0x1;
	s5 =	sadd.s32 s21, s3  }
0x9d: {  	[timem:s7], [sflag:s22] =	dma.local [hbm:s5], s20  }
0x9e: {  	_ =	swait.ge [sflag:s22], s20  }
0x9f: {  	s4 =	ssub.s32 $0x0, s20;
	[sflag:s22] =	ssyncset.done $0x0  }
0xa0: {  	[sflag:s22] =	ssyncadd.s32 s4;
	_ =	sdelay $0x1  }
0xa1: {  	s23 =	simm.s32 $0x1B8B  }
0xa2: {  	_ =	swait.ge [sflag:s23], $0x1  }
0xa3: {  	[sflag:s23] =	ssyncset.done $0x0  }
0xa4: {  	s25 =	simm.s32 $0x1B8E;
	s24 =	sld [smem:$0x3FFE];
	[sflag:s23] =	ssyncadd.s32 $0xFFFFFFFF  }
0xa5: {  	s26 =	simm.s32 $execute0_lowered;
	[smem:$0x3FD2] =	sst s25  }
0xa6: {  	s5 =	sshll.u32 s26, $0x1;
	_ =	strace $0x80000046;
	[dreg:$0x1] =	wrdreg $0xFFFFFFFF  }
0xa7: {  	s28 =	simm.s32 $_size_execute0_lowered;
	s3 =	sadd.s32 s3, s5;
	[dreg:$0x0] =	wrdreg $0x0  }
0xa8: {  	s5 =	sshll.u32 s28, $0x1;
	[dreg:$0x2] =	wrdreg s3  }
0xa9: {  	[dreg:$0x3] =	wrdreg s5  }
0xaa: {  	[dreg:$0x4] =	wrdreg $0xC0  }
0xab: {  	_ =	task [dreg:s7], $0x5FFFF  }
0xac: {  	[dreg:$0x1] =	wrdreg $0xFFFFFFFF  }
0xad: {  	[dreg:$0x0] =	wrdreg $0x60  }
0xae: {  	[dreg:$0x2] =	wrdreg s2  }
0xaf: {  	[dreg:$0x3] =	wrdreg s24  }
0xb0: {  	[dreg:$0x4] =	wrdreg $0x9  }
0xb1: {  	_ =	task.clear_ibuf [dreg:s7], $0x5FFFF;
	_ =	strace $0x90000046  }
0xb2: {  	s29 =	simm.s32 $0x9;
	_ =	strace $0x80000048  }
0xb3: {  	_ =	swait.ge [sflag:s29], $0x1  }
0xb4: {  	[sflag:s29] =	ssyncadd.s32 $0xFFFFFFFF  }
0xb5: {  	_ =	strace $0x90000048  }
0xb6: {  	_ =	sfence  }
0xb7: {  	s30 =	sld [smem:$0x0];
	_ =	sdelay $0x2  }
0xb8: {  	s31 =	sshll.u32 s1, $0xD;
	s1 =	sshrl.u32 s1, $0x2  }
0xb9: {  	s3 =	sand.u32 $0x4000, s31;
	s1 =	sadd.s32 s1, s30  }
0xba: {  	s0 =	sor.u32 s3, s0;
	s1 =	sshll.u32 s1, $0x11  }
0xbb: {  	s0 =	sor.u32 s1, s0  }
0xbc: {  	s0 =	sadd.s32 $0x8F2B, s0  }
0xbd: {  	[sflag:s0] =	ssyncadd.remote.s32 $0x1  }
0xbe: {  	_ =	sfence.sel $0xFFFF  }
0xbf: {  	[dreg:$0x0] =	wrdreg $0xFFFFFFFF;
	(pc) =	sbr.abs _section_cstart, $3  }
0xc0: {  	[dreg:$0x1] =	wrdreg $0xFFFFFFFF  }
0xc1: {  	_ =	task.clear_ibuf [dreg:s7], $0x2FFFF;
	_ =	strace $0x9FFFFFFF  }
0xc2: {  	(tm) =	ssettm $0x7FFFFFFF  }
0xc3: {  	_ =	shalt  }
tec
execute0_lowered:
.L_overlay_start_1:
0x0: {  	(tag) =	ssettag $0x1  }
0x1: {  	s0 =	rddreg [dreg:$0x0]  }
0x2: {  	s1 =	rddreg [dreg:$0x1];
	s2 =	simm.s32 $0x0  }
0x3: {  	s3 =	srdreg.scid;
	s5 =	stileid.u32;
	s11 =	simm.s32 $0x1  }
0x4: {  	s12 =	simm.s32 $0x200;
	s13 =	simm.s32 $0x2;
	s14 =	simm.s32 $0x4000  }
0x5: {  	s15 =	simm.s32 $0xB400;
	s16 =	simm.s32 $0x3;
	s17 =	simm.s32 $0xF400  }
0x6: {  	s18 =	simm.s32 $0x4;
	s20 =	simm.s32 $0x5;
	s4 =	sand.u32 $0x1, s3  }
0x7: {  	s5 =	sshll.u32 s5, $0xA;
	s6 =	sshll.u32 s4, $0x9;
	s7 =	ssub.s32 $0x2, s4  }
0x8: {  	[smem:$0x7FF] =	sst s2;
	s4 =	sor.u32 s6, s5;
	s29 =	sshrl.u32 s7, $0x1  }
0x9: {  	s5 =	sadd.s32 $0x9EB600, s1;
	s8 =	sshrl.u32 s4, $0x3;
	s7 =	ssub.s32 s7, s29  }
0xa: {  	s3 =	sadd.s32 $0x400, s1;
	s30 =	sadd.s32 s8, s5;
	s31 =	smax.u32 s7, $0x1  }
0xb: {  	_ =	strace $0x80000047;
	s9 =	sadd.s32 $0x180000, s30;
	[dreg:$0x5] =	wrdreg s31  }
0xc: {  	s6 =	sadd.s32 $0x9FB600, s1;
	s1 =	sadd.s32 $0x190000, s30;
	[dreg:$0x3] =	wrdreg s9  }
0xd: {  	s10 =	sadd.s32 s8, s0;
	s7 =	simm.s32 $0x0;
	[dreg:$0x4] =	wrdreg s1  }
.LBB2_1:
0xe: {  	[dreg:$0x6] =	wrdreg s7  }
0xf: {  	s0 =	simm.s32 $0x0;
	s28 =	sadd.s32 $0x0, s10;
	s29 =	simm.s32 $0x80  }
0x10: {  	[tilespmem:s0], [sflag:$0x1] =	stream.linear.gather [hbm4b:s28+s2], $0x80, $0x38;
	[tilespmem:$0x1B400] =	vst v63  }
0x11: {  	s30 =	simm.s32 $0x100;
	s1 =	sadd.s32 $0x10, s28;
	s31 =	sadd.s32 $0x20, s28  }
0x12: {  	[tilespmem:s29], [sflag:$0x1] =	stream.linear.gather [hbm4b:s1+s2], $0x80, $0x38;
	[tilespmem:$0x1B400] =	vst v63  }
0x13: {  	s0 =	simm.s32 $0x800;
	s7 =	sadd.s32 $0x30, s28;
	s1 =	simm.s32 $0x180  }
0x14: {  	[tilespmem:s30], [sflag:$0x1] =	stream.linear.gather [hbm4b:s31+s2], $0x80, $0x38;
	[tilespmem:$0x1B400] =	vst v63  }
.LBB2_2:
0x15: {  	[tilespmem:s1], [sflag:$0x1] =	stream.linear.gather [hbm4b:s7+s2], $0x80, $0x38;
	[tilespmem:$0x1B400] =	vst v63  }
0x16: {  	s1 =	sshra.s32 s0, $0x2;
	s7 =	sadd.s32 s0, s10;
	p0 =	sne.s32 s0, $0xC800  }
0x17: {  	[tilespmem:s1], [sflag:$0x1] =	stream.linear.gather [hbm4b:s7+s2], $0x80, $0x38;
	[tilespmem:$0x1B400] =	vst v63  }
.Ltmp0:
0x18: {  	s8 =	sadd.s32 $0x80, s1;
	s9 =	sadd.s32 $0x10, s7;
	(pc) =	sbr.rel @p0 .LBB2_2-.Ltmp0, $4  }
0x19: {  	[tilespmem:s8], [sflag:$0x1] =	stream.linear.gather [hbm4b:s9+s2], $0x80, $0x38;
	[tilespmem:$0x1B400] =	vst v63  }
0x1a: {  	s0 =	sadd.s32 $0x800, s0;
	s8 =	sadd.s32 $0x100, s1;
	s9 =	sadd.s32 $0x20, s7  }
0x1b: {  	[tilespmem:s8], [sflag:$0x1] =	stream.linear.gather [hbm4b:s9+s2], $0x80, $0x38;
	[tilespmem:$0x1B400] =	vst v63  }
0x1c: {  	s1 =	sadd.s32 $0x180, s1;
	s7 =	sadd.s32 $0x30, s7  }
0x1d: {  	[tilespmem:s1], [sflag:$0x1] =	stream.linear.gather [hbm4b:s7+s2], $0x80, $0x38;
	[tilespmem:$0x1B400] =	vst v63  }
0x1e: {  	_ =	swait.ge [sflag:s11], $0x80  }
0x1f: {  	s0 =	simm.s32 $0x67;
	[sflag:s11] =	ssyncset.done $0x0  }
.LBB2_4:
0x20: {  	p0 =	sne.s32 s0, $0x1;
	s0 =	sadd.s32 $0xFFFFFFFF, s0;
	[sflag:s11] =	ssyncadd.s32 $0xFFFFFF80  }
.Ltmp1:
0x21: {  	(pc) =	sbr.rel @p0 .LBB2_4-.Ltmp1, $3  }
0x22: {  	_ =	sdelay $0x1  }
0x23: {  	_ =	swait.ge [sflag:s11], $0x80  }
0x24: {  	[sflag:s11] =	ssyncset.done $0x0  }
0x25: {  	[sflag:s11] =	ssyncadd.s32 $0xFFFFFF80;
	s8 =	simm.s32 $0x0  }
0x26: {  	v0 =	vld [tilespmem:s8+$0x0];
	_ =	sdelay $0x1  }
0x27: {  	s0 =	simm.s32 $0x0  }
0x28: {  	s1 =	smul.u32 $0x186A0, s0;
	_ =	sdelay $0x1  }
0x29: {  	s0 =	simm.s32 $0x0;
	v0 =	vadd.s32 s1, v0  }
0x2a: {  	[tilespmem:s0+$0x3400] =	vst v0  }
0x2b: {  	v0 =	vld [tilespmem:s8+$0x10];
	_ =	sdelay $0x4  }
0x2c: {  	v0 =	vadd.s32 s1, v0  }
0x2d: {  	[tilespmem:s0+$0x3410] =	vst v0  }
0x2e: {  	v0 =	vld [tilespmem:s8+$0x20];
	_ =	sdelay $0x4  }
0x2f: {  	v0 =	vadd.s32 s1, v0  }
0x30: {  	[tilespmem:s0+$0x3420] =	vst v0  }
0x31: {  	v0 =	vld [tilespmem:s8+$0x30];
	_ =	sdelay $0x4  }
0x32: {  	v0 =	vadd.s32 s1, v0  }
0x33: {  	[tilespmem:s0+$0x3430] =	vst v0  }
0x34: {  	v0 =	vld [tilespmem:s8+$0x40];
	_ =	sdelay $0x4  }
0x35: {  	v0 =	vadd.s32 s1, v0  }
0x36: {  	[tilespmem:s0+$0x3440] =	vst v0  }
0x37: {  	v0 =	vld [tilespmem:s8+$0x50];
	_ =	sdelay $0x4  }
0x38: {  	v0 =	vadd.s32 s1, v0  }
0x39: {  	[tilespmem:s0+$0x3450] =	vst v0  }
0x3a: {  	v0 =	vld [tilespmem:s8+$0x60];
	_ =	sdelay $0x4  }
0x3b: {  	v0 =	vadd.s32 s1, v0  }
0x3c: {  	[tilespmem:s0+$0x3460] =	vst v0  }
0x3d: {  	v0 =	vld [tilespmem:s8+$0x70]  }
0x3e: {  	s7 =	simm.s32 $0x200  }
0x3f: {  	s22 =	simm.s32 $0x0;
	s9 =	simm.s32 $0x400;
	s8 =	simm.s32 $0x1  }
.LBB2_6:
0x40: {  	p0 =	sne.s32 s9, $0xFE00;
	s19 =	sshll.u32 s22, $0xB  }
0x41: {  	s19 =	ssub.s32 $0x0, s19  }
0x42: {  	s21 =	sshra.s32 s7, $0x2;
	s7 =	smov.u32 s9;
	s19 =	sshra.s32 s19, $0x2;
	v0 =	vadd.s32 s1, v0  }
0x43: {  	s19 =	sadd.s32 s21, s19;
	[tilespmem:s0+$0x3470] =	vst v0;
	s0 =	smov.u32 s21  }
0x44: {  	v0 =	vld [tilespmem:s19+$0x0];
	_ =	sdelay $0x2  }
0x45: {  	s1 =	smul.u32 $0x186A0, s22;
	_ =	sdelay $0x1  }
0x46: {  	v0 =	vadd.s32 s1, v0  }
0x47: {  	[tilespmem:s0+$0x3400] =	vst v0  }
0x48: {  	v0 =	vld [tilespmem:s19+$0x10];
	_ =	sdelay $0x4  }
0x49: {  	v0 =	vadd.s32 s1, v0  }
0x4a: {  	[tilespmem:s0+$0x3410] =	vst v0  }
0x4b: {  	v0 =	vld [tilespmem:s19+$0x20];
	_ =	sdelay $0x4  }
0x4c: {  	v0 =	vadd.s32 s1, v0  }
0x4d: {  	[tilespmem:s0+$0x3420] =	vst v0  }
0x4e: {  	v0 =	vld [tilespmem:s19+$0x30];
	_ =	sdelay $0x4  }
0x4f: {  	v0 =	vadd.s32 s1, v0  }
0x50: {  	[tilespmem:s0+$0x3430] =	vst v0  }
0x51: {  	v0 =	vld [tilespmem:s19+$0x40];
	_ =	sdelay $0x4  }
0x52: {  	v0 =	vadd.s32 s1, v0  }
0x53: {  	[tilespmem:s0+$0x3440] =	vst v0  }
0x54: {  	v0 =	vld [tilespmem:s19+$0x50];
	_ =	sdelay $0x4  }
0x55: {  	v0 =	vadd.s32 s1, v0  }
0x56: {  	[tilespmem:s0+$0x3450] =	vst v0  }
0x57: {  	v0 =	vld [tilespmem:s19+$0x60];
	_ =	sdelay $0x4  }
.Ltmp2:
0x58: {  	v0 =	vadd.s32 s1, v0;
	(pc) =	sbr.rel @p0 .LBB2_6-.Ltmp2, $4  }
0x59: {  	[tilespmem:s0+$0x3460] =	vst v0  }
0x5a: {  	v0 =	vld [tilespmem:s19+$0x70]  }
0x5b: {  	s8 =	sadd.s32 $0x1, s8  }
0x5c: {  	s9 =	sadd.s32 $0x200, s9;
	s22 =	sshrl.u32 s8, $0x2  }
0x5d: {  	s8 =	sshll.u32 s22, $0xB  }
0x5e: {  	s8 =	ssub.s32 $0x0, s8  }
0x5f: {  	s7 =	sshra.s32 s7, $0x2;
	s8 =	sshra.s32 s8, $0x2;
	v0 =	vadd.s32 s1, v0  }
0x60: {  	s30 =	sadd.s32 s7, s8;
	[tilespmem:s0+$0x3470] =	vst v0  }
0x61: {  	v0 =	vld [tilespmem:s30+$0x0];
	_ =	sdelay $0x2  }
0x62: {  	s31 =	smul.u32 $0x186A0, s22;
	_ =	sdelay $0x1  }
0x63: {  	v0 =	vadd.s32 s31, v0  }
0x64: {  	[tilespmem:s7+$0x3400] =	vst v0  }
0x65: {  	v0 =	vld [tilespmem:s30+$0x10];
	_ =	sdelay $0x4  }
0x66: {  	v0 =	vadd.s32 s31, v0  }
0x67: {  	[tilespmem:s7+$0x3410] =	vst v0  }
0x68: {  	v0 =	vld [tilespmem:s30+$0x20];
	_ =	sdelay $0x4  }
0x69: {  	v0 =	vadd.s32 s31, v0  }
0x6a: {  	[tilespmem:s7+$0x3420] =	vst v0  }
0x6b: {  	v0 =	vld [tilespmem:s30+$0x30];
	_ =	sdelay $0x4  }
0x6c: {  	v0 =	vadd.s32 s31, v0  }
0x6d: {  	[tilespmem:s7+$0x3430] =	vst v0  }
0x6e: {  	v0 =	vld [tilespmem:s30+$0x40];
	_ =	sdelay $0x4  }
0x6f: {  	v0 =	vadd.s32 s31, v0  }
0x70: {  	[tilespmem:s7+$0x3440] =	vst v0  }
0x71: {  	v0 =	vld [tilespmem:s30+$0x50];
	_ =	sdelay $0x4  }
0x72: {  	v0 =	vadd.s32 s31, v0  }
0x73: {  	[tilespmem:s7+$0x3450] =	vst v0  }
0x74: {  	v0 =	vld [tilespmem:s30+$0x60];
	_ =	sdelay $0x4  }
0x75: {  	v0 =	vadd.s32 s31, v0  }
0x76: {  	[tilespmem:s7+$0x3460] =	vst v0  }
0x77: {  	v0 =	vld [tilespmem:s30+$0x70];
	_ =	sdelay $0x4  }
0x78: {  	v0 =	vadd.s32 s31, v0  }
0x79: {  	s1 =	simm.s32 $0x800;
	s8 =	simm.s32 $0x3400;
	[tilespmem:s7+$0x3470] =	vst v0;
	s7 =	simm.s32 $0xB400  }
.LBB2_8:
0x7a: {  	[tilespmem:s7], [sflag:$0x2] =	stream.indirect.gather [hbm4b:s3+s12], $0x1, s8, s12, $0xb8;
	[tilespmem:$0x1B400] =	vst v63  }
0x7b: {  	s0 =	smov.u32 s1;
	p0 =	sne.s32 s1, $0xF800  }
.Ltmp3:
0x7c: {  	s1 =	sadd.s32 $0x800, s1;
	(pc) =	sbr.rel @p0 .LBB2_8-.Ltmp3, $3  }
0x7d: {  	_ =	sdelay $0x1  }
0x7e: {  	s0 =	sshra.s32 s0, $0x2  }
0x7f: {  	s7 =	sadd.s32 $0xB400, s0;
	s8 =	sadd.s32 $0x3400, s0;
	s0 =	simm.s32 $0x0  }
0x80: {  	[tilespmem:s7], [sflag:$0x2] =	stream.indirect.gather [hbm4b:s3+s12], $0x1, s8, s12, $0xb8;
	[tilespmem:$0x1B400] =	vst v63  }
0x81: {  	s9 =	simm.s32 $0x0  }
0x82: {  	v0 =	vld [tilespmem:s9+$0x200]  }
0x83: {  	s1 =	simm.s32 $0x0  }
0x84: {  	s1 =	smul.u32 $0x186A0, s1;
	_ =	sdelay $0x1  }
0x85: {  	s7 =	sadd.s32 $0x30D400, s1  }
0x86: {  	s1 =	simm.s32 $0x0;
	v0 =	vadd.s32 s7, v0  }
0x87: {  	[tilespmem:s1+$0x7400] =	vst v0  }
0x88: {  	v0 =	vld [tilespmem:s9+$0x210];
	_ =	sdelay $0x4  }
0x89: {  	v0 =	vadd.s32 s7, v0  }
0x8a: {  	[tilespmem:s1+$0x7410] =	vst v0  }
0x8b: {  	v0 =	vld [tilespmem:s9+$0x220];
	_ =	sdelay $0x4  }
0x8c: {  	v0 =	vadd.s32 s7, v0  }
0x8d: {  	[tilespmem:s1+$0x7420] =	vst v0  }
0x8e: {  	v0 =	vld [tilespmem:s9+$0x230];
	_ =	sdelay $0x4  }
0x8f: {  	v0 =	vadd.s32 s7, v0  }
0x90: {  	[tilespmem:s1+$0x7430] =	vst v0  }
0x91: {  	v0 =	vld [tilespmem:s9+$0x240];
	_ =	sdelay $0x4  }
0x92: {  	v0 =	vadd.s32 s7, v0  }
0x93: {  	[tilespmem:s1+$0x7440] =	vst v0  }
0x94: {  	v0 =	vld [tilespmem:s9+$0x250];
	_ =	sdelay $0x4  }
0x95: {  	v0 =	vadd.s32 s7, v0  }
0x96: {  	[tilespmem:s1+$0x7450] =	vst v0  }
0x97: {  	v0 =	vld [tilespmem:s9+$0x260];
	_ =	sdelay $0x4  }
0x98: {  	v0 =	vadd.s32 s7, v0  }
0x99: {  	[tilespmem:s1+$0x7460] =	vst v0  }
0x9a: {  	v0 =	vld [tilespmem:s9+$0x270]  }
0x9b: {  	s8 =	simm.s32 $0x200  }
0x9c: {  	s19 =	simm.s32 $0x0;
	s22 =	simm.s32 $0x400;
	s9 =	simm.s32 $0x1  }
.LBB2_10:
0x9d: {  	p0 =	sne.s32 s22, $0xFE00;
	s21 =	sshll.u32 s19, $0xB  }
0x9e: {  	s21 =	ssub.s32 $0x0, s21  }
0x9f: {  	s24 =	sshra.s32 s8, $0x2;
	s8 =	smov.u32 s22;
	s21 =	sshra.s32 s21, $0x2;
	v0 =	vadd.s32 s7, v0  }
0xa0: {  	s23 =	sadd.s32 s24, s21;
	[tilespmem:s1+$0x7470] =	vst v0;
	s1 =	smov.u32 s24  }
0xa1: {  	v0 =	vld [tilespmem:s23+$0x200];
	_ =	sdelay $0x1  }
0xa2: {  	s7 =	smul.u32 $0x186A0, s19;
	_ =	sdelay $0x1  }
0xa3: {  	s7 =	sadd.s32 $0x30D400, s7  }
0xa4: {  	v0 =	vadd.s32 s7, v0  }
0xa5: {  	[tilespmem:s1+$0x7400] =	vst v0  }
0xa6: {  	v0 =	vld [tilespmem:s23+$0x210];
	_ =	sdelay $0x4  }
0xa7: {  	v0 =	vadd.s32 s7, v0  }
0xa8: {  	[tilespmem:s1+$0x7410] =	vst v0  }
0xa9: {  	v0 =	vld [tilespmem:s23+$0x220];
	_ =	sdelay $0x4  }
0xaa: {  	v0 =	vadd.s32 s7, v0  }
0xab: {  	[tilespmem:s1+$0x7420] =	vst v0  }
0xac: {  	v0 =	vld [tilespmem:s23+$0x230];
	_ =	sdelay $0x4  }
0xad: {  	v0 =	vadd.s32 s7, v0  }
0xae: {  	[tilespmem:s1+$0x7430] =	vst v0  }
0xaf: {  	v0 =	vld [tilespmem:s23+$0x240];
	_ =	sdelay $0x4  }
0xb0: {  	v0 =	vadd.s32 s7, v0  }
0xb1: {  	[tilespmem:s1+$0x7440] =	vst v0  }
0xb2: {  	v0 =	vld [tilespmem:s23+$0x250];
	_ =	sdelay $0x4  }
0xb3: {  	v0 =	vadd.s32 s7, v0  }
0xb4: {  	[tilespmem:s1+$0x7450] =	vst v0  }
0xb5: {  	v0 =	vld [tilespmem:s23+$0x260];
	_ =	sdelay $0x4  }
.Ltmp4:
0xb6: {  	v0 =	vadd.s32 s7, v0;
	(pc) =	sbr.rel @p0 .LBB2_10-.Ltmp4, $4  }
0xb7: {  	[tilespmem:s1+$0x7460] =	vst v0  }
0xb8: {  	v0 =	vld [tilespmem:s23+$0x270]  }
0xb9: {  	s9 =	sadd.s32 $0x1, s9  }
0xba: {  	s22 =	sadd.s32 $0x200, s22;
	s19 =	sshrl.u32 s9, $0x2  }
0xbb: {  	s9 =	sshll.u32 s19, $0xB  }
0xbc: {  	s9 =	ssub.s32 $0x0, s9  }
0xbd: {  	s8 =	sshra.s32 s8, $0x2;
	s9 =	sshra.s32 s9, $0x2;
	v0 =	vadd.s32 s7, v0  }
0xbe: {  	s30 =	sadd.s32 s8, s9;
	[tilespmem:s1+$0x7470] =	vst v0  }
0xbf: {  	v0 =	vld [tilespmem:s30+$0x200];
	_ =	sdelay $0x1  }
0xc0: {  	s31 =	smul.u32 $0x186A0, s19;
	_ =	sdelay $0x1  }
0xc1: {  	s1 =	sadd.s32 $0x30D400, s31  }
0xc2: {  	v0 =	vadd.s32 s1, v0  }
0xc3: {  	[tilespmem:s8+$0x7400] =	vst v0  }
0xc4: {  	v0 =	vld [tilespmem:s30+$0x210];
	_ =	sdelay $0x4  }
0xc5: {  	v0 =	vadd.s32 s1, v0  }
0xc6: {  	[tilespmem:s8+$0x7410] =	vst v0  }
0xc7: {  	v0 =	vld [tilespmem:s30+$0x220];
	_ =	sdelay $0x4  }
0xc8: {  	v0 =	vadd.s32 s1, v0  }
0xc9: {  	[tilespmem:s8+$0x7420] =	vst v0  }
0xca: {  	v0 =	vld [tilespmem:s30+$0x230];
	_ =	sdelay $0x4  }
0xcb: {  	v0 =	vadd.s32 s1, v0  }
0xcc: {  	[tilespmem:s8+$0x7430] =	vst v0  }
0xcd: {  	v0 =	vld [tilespmem:s30+$0x240];
	_ =	sdelay $0x4  }
0xce: {  	v0 =	vadd.s32 s1, v0  }
0xcf: {  	[tilespmem:s8+$0x7440] =	vst v0  }
0xd0: {  	v0 =	vld [tilespmem:s30+$0x250];
	_ =	sdelay $0x4  }
0xd1: {  	v0 =	vadd.s32 s1, v0  }
0xd2: {  	[tilespmem:s8+$0x7450] =	vst v0  }
0xd3: {  	v0 =	vld [tilespmem:s30+$0x260];
	_ =	sdelay $0x4  }
0xd4: {  	v0 =	vadd.s32 s1, v0  }
0xd5: {  	[tilespmem:s8+$0x7460] =	vst v0  }
0xd6: {  	v0 =	vld [tilespmem:s30+$0x270];
	_ =	sdelay $0x4  }
0xd7: {  	v0 =	vadd.s32 s1, v0  }
0xd8: {  	[tilespmem:s8+$0x7470] =	vst v0  }
.LBB2_12:
0xd9: {  	p0 =	sne.s32 s0, $0xF800  }
.Ltmp5:
0xda: {  	_ = 	snop;
	(pc) =	sbr.rel @p0 .LBB2_12-.Ltmp5, $4  }
0xdb: {  	_ = 	snop  }
0xdc: {  	s1 =	sshra.s32 s0, $0x2  }
0xdd: {  	s0 =	sadd.s32 $0x800, s0;
	s7 =	sadd.s32 $0xF400, s1;
	s1 =	sadd.s32 $0x7400, s1  }
0xde: {  	[tilespmem:s7], [sflag:$0x3] =	stream.indirect.gather [hbm4b:s3+s12], $0x1, s1, s12, $0xb8;
	[tilespmem:$0x1B400] =	vst v63  }
0xdf: {  	s25 =	simm.s32 $0x0;
	s26 =	simm.s32 $0x470  }
0xe0: {  	s23 =	simm.s32 $0x670;
	s29 =	simm.s32 $0x870;
	s30 =	simm.s32 $0xA70  }
.LBB2_14:
0xe1: {  	_ =	swait.ge [sflag:s13], $0x4000  }
0xe2: {  	[sflag:s13] =	ssyncset.done $0x0  }
0xe3: {  	s1 =	sshll.u32 s25, $0x2;
	s9 =	sadd.s32 $0x0, s26;
	[sflag:s13] =	ssyncadd.s32 $0xFFFFC000  }
0xe4: {  	s31 =	sor.u32 $0x2, s1;
	v0 =	vld [tilespmem:s9+$0xFFFFFF90]  }
0xe5: {  	s0 =	sshll.u32 s31, $0x5  }
0xe6: {  	s7 =	sadd.s32 $0x0, s0  }
0xe7: {  	s8 =	smul.u32 $0x186A0, s7;
	_ =	sdelay $0x1  }
0xe8: {  	s7 =	simm.s32 $0x3440;
	v0 =	vadd.s32 s8, v0  }
0xe9: {  	[tilespmem:s7+$0xFFFFFFC0] =	vst v0  }
0xea: {  	v0 =	vld [tilespmem:s9+$0xFFFFFFA0];
	_ =	sdelay $0x4  }
0xeb: {  	v0 =	vadd.s32 s8, v0  }
0xec: {  	[tilespmem:s7+$0xFFFFFFD0] =	vst v0  }
0xed: {  	v0 =	vld [tilespmem:s9+$0xFFFFFFB0];
	_ =	sdelay $0x4  }
0xee: {  	v0 =	vadd.s32 s8, v0  }
0xef: {  	[tilespmem:s7+$0xFFFFFFE0] =	vst v0  }
0xf0: {  	v0 =	vld [tilespmem:s9+$0xFFFFFFC0];
	_ =	sdelay $0x4  }
0xf1: {  	v0 =	vadd.s32 s8, v0  }
0xf2: {  	[tilespmem:s7+$0xFFFFFFF0] =	vst v0  }
0xf3: {  	v0 =	vld [tilespmem:s9+$0xFFFFFFD0];
	_ =	sdelay $0x4  }
0xf4: {  	v0 =	vadd.s32 s8, v0  }
0xf5: {  	[tilespmem:s7+$0x0] =	vst v0  }
0xf6: {  	v0 =	vld [tilespmem:s9+$0xFFFFFFE0];
	_ =	sdelay $0x4  }
0xf7: {  	v0 =	vadd.s32 s8, v0  }
0xf8: {  	[tilespmem:s7+$0x10] =	vst v0  }
0xf9: {  	v0 =	vld [tilespmem:s9+$0xFFFFFFF0];
	_ =	sdelay $0x4  }
0xfa: {  	v0 =	vadd.s32 s8, v0  }
0xfb: {  	[tilespmem:s7+$0x20] =	vst v0  }
0xfc: {  	v0 =	vld [tilespmem:s9+$0x0];
	_ =	sdelay $0x1  }
0xfd: {  	s19 =	simm.s32 $0x0;
	s22 =	simm.s32 $0x2;
	s9 =	smov.u32 s26  }
.LBB2_15:
0xfe: {  	p0 =	sne.s32 s22, $0x7F;
	s21 =	sshll.u32 s19, $0xB  }
0xff: {  	s21 =	ssub.s32 $0x0, s21  }
0x100: {  	s9 =	sadd.s32 $0x80, s9;
	s21 =	sshra.s32 s21, $0x2;
	v0 =	vadd.s32 s8, v0  }
0x101: {  	s24 =	sadd.s32 s21, s9;
	[tilespmem:s7+$0x30] =	vst v0  }
0x102: {  	v0 =	vld [tilespmem:s24+$0xFFFFFF90];
	_ =	sdelay $0x1  }
0x103: {  	s8 =	sadd.s32 s0, s19  }
0x104: {  	s8 =	smul.u32 $0x186A0, s8;
	_ =	sdelay $0x1  }
0x105: {  	s7 =	sadd.s32 $0x80, s7;
	v0 =	vadd.s32 s8, v0  }
0x106: {  	[tilespmem:s7+$0xFFFFFFC0] =	vst v0  }
0x107: {  	v0 =	vld [tilespmem:s24+$0xFFFFFFA0];
	_ =	sdelay $0x4  }
0x108: {  	v0 =	vadd.s32 s8, v0  }
0x109: {  	[tilespmem:s7+$0xFFFFFFD0] =	vst v0  }
0x10a: {  	v0 =	vld [tilespmem:s24+$0xFFFFFFB0];
	_ =	sdelay $0x4  }
0x10b: {  	v0 =	vadd.s32 s8, v0  }
0x10c: {  	[tilespmem:s7+$0xFFFFFFE0] =	vst v0  }
0x10d: {  	v0 =	vld [tilespmem:s24+$0xFFFFFFC0];
	_ =	sdelay $0x4  }
0x10e: {  	v0 =	vadd.s32 s8, v0  }
0x10f: {  	[tilespmem:s7+$0xFFFFFFF0] =	vst v0  }
0x110: {  	v0 =	vld [tilespmem:s24+$0xFFFFFFD0];
	_ =	sdelay $0x4  }
0x111: {  	v0 =	vadd.s32 s8, v0  }
0x112: {  	[tilespmem:s7+$0x0] =	vst v0  }
0x113: {  	v0 =	vld [tilespmem:s24+$0xFFFFFFE0];
	_ =	sdelay $0x4  }
0x114: {  	v0 =	vadd.s32 s8, v0  }
0x115: {  	[tilespmem:s7+$0x10] =	vst v0  }
0x116: {  	v0 =	vld [tilespmem:s24+$0xFFFFFFF0];
	_ =	sdelay $0x4  }
.Ltmp6:
0x117: {  	v0 =	vadd.s32 s8, v0;
	(pc) =	sbr.rel @p0 .LBB2_15-.Ltmp6, $3  }
0x118: {  	[tilespmem:s7+$0x20] =	vst v0  }
0x119: {  	v0 =	vld [tilespmem:s24+$0x0];
	_ =	sdelay $0x1  }
0x11a: {  	s19 =	sshrl.u32 s22, $0x2;
	s22 =	sadd.s32 $0x1, s22  }
0x11b: {  	s21 =	sshll.u32 s19, $0xB  }
0x11c: {  	s21 =	ssub.s32 $0x0, s21  }
0x11d: {  	s24 =	sadd.s32 $0x80, s9;
	s21 =	sshra.s32 s21, $0x2;
	v0 =	vadd.s32 s8, v0  }
0x11e: {  	s8 =	sadd.s32 s21, s24;
	[tilespmem:s7+$0x30] =	vst v0  }
0x11f: {  	v0 =	vld [tilespmem:s8+$0xFFFFFF90];
	_ =	sdelay $0x1  }
0x120: {  	s0 =	sadd.s32 s0, s19  }
0x121: {  	s0 =	smul.u32 $0x186A0, s0;
	_ =	sdelay $0x1  }
0x122: {  	s28 =	sadd.s32 $0x80, s7;
	v0 =	vadd.s32 s0, v0  }
0x123: {  	[tilespmem:s28+$0xFFFFFFC0] =	vst v0  }
0x124: {  	v0 =	vld [tilespmem:s8+$0xFFFFFFA0];
	_ =	sdelay $0x4  }
0x125: {  	v0 =	vadd.s32 s0, v0  }
0x126: {  	[tilespmem:s28+$0xFFFFFFD0] =	vst v0  }
0x127: {  	v0 =	vld [tilespmem:s8+$0xFFFFFFB0];
	_ =	sdelay $0x4  }
0x128: {  	v0 =	vadd.s32 s0, v0  }
0x129: {  	[tilespmem:s28+$0xFFFFFFE0] =	vst v0  }
0x12a: {  	v0 =	vld [tilespmem:s8+$0xFFFFFFC0];
	_ =	sdelay $0x4  }
0x12b: {  	v0 =	vadd.s32 s0, v0  }
0x12c: {  	[tilespmem:s28+$0xFFFFFFF0] =	vst v0  }
0x12d: {  	v0 =	vld [tilespmem:s8+$0xFFFFFFD0];
	_ =	sdelay $0x4  }
0x12e: {  	v0 =	vadd.s32 s0, v0  }
0x12f: {  	[tilespmem:s28+$0x0] =	vst v0  }
0x130: {  	v0 =	vld [tilespmem:s8+$0xFFFFFFE0];
	_ =	sdelay $0x4  }
0x131: {  	v0 =	vadd.s32 s0, v0  }
0x132: {  	[tilespmem:s28+$0x10] =	vst v0  }
0x133: {  	v0 =	vld [tilespmem:s8+$0xFFFFFFF0];
	_ =	sdelay $0x4  }
0x134: {  	v0 =	vadd.s32 s0, v0  }
0x135: {  	[tilespmem:s28+$0x20] =	vst v0  }
0x136: {  	v0 =	vld [tilespmem:s8+$0x0];
	_ =	sdelay $0x4  }
0x137: {  	p0 =	seq.s32 s25, $0x0;
	v0 =	vadd.s32 s0, v0  }
0x138: {  	s0 =	simm.s32 @!p0 $0x6;
	[tilespmem:s28+$0x30] =	vst v0  }
0x139: {  	_ =	swait.ge @!p0 [sflag:s0], $0x4000  }
0x13a: {  	s7 =	simm.s32 $0x13400;
	[sflag:s0] =	ssyncset.done @!p0 $0x0  }
0x13b: {  	s8 =	simm.s32 $0x3400;
	[sflag:s0] =	ssyncadd.s32 @!p0 $0xFFFFC000;
	s0 =	simm.s32 $0x800  }
.LBB2_17:
0x13c: {  	[tilespmem:s7], [sflag:$0x2] =	stream.indirect.gather [hbm4b:s3+s12], $0x1, s8, s12, $0xb8;
	[tilespmem:$0x1B400] =	vst v63  }
0x13d: {  	s7 =	smov.u32 s0;
	p1 =	sne.s32 s0, $0xF800  }
.Ltmp7:
0x13e: {  	s0 =	sadd.s32 $0x800, s0;
	(pc) =	sbr.rel @p1 .LBB2_17-.Ltmp7, $3  }
0x13f: {  	_ =	sdelay $0x1  }
0x140: {  	s8 =	sshra.s32 s7, $0x2  }
0x141: {  	s7 =	sadd.s32 $0x13400, s8;
	s8 =	sadd.s32 $0x3400, s8  }
0x142: {  	[tilespmem:s7], [sflag:$0x2] =	stream.indirect.gather [hbm4b:s3+s12], $0x1, s8, s12, $0xb8;
	[tilespmem:$0x1B400] =	vst v63  }
0x143: {  	s0 =	sshll.u32 s25, $0x15  }
0x144: {  	s0 =	sor.u32 s4, s0  }
0x145: {  	s7 =	sshrl.u32 s0, $0x3  }
0x146: {  	s0 =	sadd.s32 s5, s7  }
0x147: {  	[hbm4b:s0+s12] =	stream.strided.scatter [tilespmem:s15], [sflag:$0x4], $0x4000, s14, s12, $0x38;
	[tilespmem:$0x1B400] =	vst v63  }
0x148: {  	_ =	swait.ge [sflag:s16], $0x4000  }
0x149: {  	[sflag:s16] =	ssyncset.done $0x0  }
0x14a: {  	s19 =	sadd.s32 $0x0, s23;
	[sflag:s16] =	ssyncadd.s32 $0xFFFFC000  }
0x14b: {  	s0 =	sor.u32 $0x3, s1;
	v0 =	vld [tilespmem:s19+$0xFFFFFF90]  }
0x14c: {  	s8 =	sshll.u32 s0, $0x5  }
0x14d: {  	s9 =	sadd.s32 $0x0, s8  }
0x14e: {  	s22 =	smul.u32 $0x186A0, s9;
	_ =	sdelay $0x1  }
0x14f: {  	s9 =	simm.s32 $0x7440;
	v0 =	vadd.s32 s22, v0  }
0x150: {  	[tilespmem:s9+$0xFFFFFFC0] =	vst v0  }
0x151: {  	v0 =	vld [tilespmem:s19+$0xFFFFFFA0];
	_ =	sdelay $0x4  }
0x152: {  	v0 =	vadd.s32 s22, v0  }
0x153: {  	[tilespmem:s9+$0xFFFFFFD0] =	vst v0  }
0x154: {  	v0 =	vld [tilespmem:s19+$0xFFFFFFB0];
	_ =	sdelay $0x4  }
0x155: {  	v0 =	vadd.s32 s22, v0  }
0x156: {  	[tilespmem:s9+$0xFFFFFFE0] =	vst v0  }
0x157: {  	v0 =	vld [tilespmem:s19+$0xFFFFFFC0];
	_ =	sdelay $0x4  }
0x158: {  	v0 =	vadd.s32 s22, v0  }
0x159: {  	[tilespmem:s9+$0xFFFFFFF0] =	vst v0  }
0x15a: {  	v0 =	vld [tilespmem:s19+$0xFFFFFFD0];
	_ =	sdelay $0x4  }
0x15b: {  	v0 =	vadd.s32 s22, v0  }
0x15c: {  	[tilespmem:s9+$0x0] =	vst v0  }
0x15d: {  	v0 =	vld [tilespmem:s19+$0xFFFFFFE0];
	_ =	sdelay $0x4  }
0x15e: {  	v0 =	vadd.s32 s22, v0  }
0x15f: {  	[tilespmem:s9+$0x10] =	vst v0  }
0x160: {  	v0 =	vld [tilespmem:s19+$0xFFFFFFF0];
	_ =	sdelay $0x4  }
0x161: {  	v0 =	vadd.s32 s22, v0  }
0x162: {  	[tilespmem:s9+$0x20] =	vst v0  }
0x163: {  	v0 =	vld [tilespmem:s19+$0x0];
	_ =	sdelay $0x1  }
0x164: {  	s21 =	simm.s32 $0x0;
	s24 =	simm.s32 $0x2;
	s28 =	smov.u32 s23  }
.LBB2_19:
0x165: {  	p1 =	sne.s32 s24, $0x7F;
	s19 =	sshll.u32 s21, $0xB  }
0x166: {  	s19 =	ssub.s32 $0x0, s19  }
0x167: {  	s28 =	sadd.s32 $0x80, s28;
	s19 =	sshra.s32 s19, $0x2;
	v0 =	vadd.s32 s22, v0  }
0x168: {  	s19 =	sadd.s32 s19, s28;
	[tilespmem:s9+$0x30] =	vst v0  }
0x169: {  	v0 =	vld [tilespmem:s19+$0xFFFFFF90];
	_ =	sdelay $0x1  }
0x16a: {  	s21 =	sadd.s32 s8, s21  }
0x16b: {  	s22 =	smul.u32 $0x186A0, s21;
	_ =	sdelay $0x1  }
0x16c: {  	s9 =	sadd.s32 $0x80, s9;
	v0 =	vadd.s32 s22, v0  }
0x16d: {  	[tilespmem:s9+$0xFFFFFFC0] =	vst v0  }
0x16e: {  	v0 =	vld [tilespmem:s19+$0xFFFFFFA0];
	_ =	sdelay $0x4  }
0x16f: {  	v0 =	vadd.s32 s22, v0  }
0x170: {  	[tilespmem:s9+$0xFFFFFFD0] =	vst v0  }
0x171: {  	v0 =	vld [tilespmem:s19+$0xFFFFFFB0];
	_ =	sdelay $0x4  }
0x172: {  	v0 =	vadd.s32 s22, v0  }
0x173: {  	[tilespmem:s9+$0xFFFFFFE0] =	vst v0  }
0x174: {  	v0 =	vld [tilespmem:s19+$0xFFFFFFC0];
	_ =	sdelay $0x4  }
0x175: {  	v0 =	vadd.s32 s22, v0  }
0x176: {  	[tilespmem:s9+$0xFFFFFFF0] =	vst v0  }
0x177: {  	v0 =	vld [tilespmem:s19+$0xFFFFFFD0];
	_ =	sdelay $0x4  }
0x178: {  	v0 =	vadd.s32 s22, v0  }
0x179: {  	[tilespmem:s9+$0x0] =	vst v0  }
0x17a: {  	v0 =	vld [tilespmem:s19+$0xFFFFFFE0];
	_ =	sdelay $0x4  }
0x17b: {  	v0 =	vadd.s32 s22, v0  }
0x17c: {  	[tilespmem:s9+$0x10] =	vst v0  }
0x17d: {  	v0 =	vld [tilespmem:s19+$0xFFFFFFF0];
	_ =	sdelay $0x4  }
.Ltmp8:
0x17e: {  	v0 =	vadd.s32 s22, v0;
	(pc) =	sbr.rel @p1 .LBB2_19-.Ltmp8, $3  }
0x17f: {  	[tilespmem:s9+$0x20] =	vst v0  }
0x180: {  	v0 =	vld [tilespmem:s19+$0x0];
	_ =	sdelay $0x1  }
0x181: {  	s21 =	sshrl.u32 s24, $0x2;
	s24 =	sadd.s32 $0x1, s24  }
0x182: {  	s19 =	sshll.u32 s21, $0xB  }
0x183: {  	s19 =	ssub.s32 $0x0, s19  }
0x184: {  	s24 =	sadd.s32 $0x80, s28;
	s19 =	sshra.s32 s19, $0x2;
	v0 =	vadd.s32 s22, v0  }
0x185: {  	s19 =	sadd.s32 s19, s24;
	[tilespmem:s9+$0x30] =	vst v0  }
0x186: {  	v0 =	vld [tilespmem:s19+$0xFFFFFF90];
	_ =	sdelay $0x1  }
0x187: {  	s8 =	sadd.s32 s8, s21  }
0x188: {  	s8 =	smul.u32 $0x186A0, s8;
	_ =	sdelay $0x1  }
0x189: {  	s28 =	sadd.s32 $0x80, s9;
	v0 =	vadd.s32 s8, v0  }
0x18a: {  	[tilespmem:s28+$0xFFFFFFC0] =	vst v0  }
0x18b: {  	v0 =	vld [tilespmem:s19+$0xFFFFFFA0];
	_ =	sdelay $0x4  }
0x18c: {  	v0 =	vadd.s32 s8, v0  }
0x18d: {  	[tilespmem:s28+$0xFFFFFFD0] =	vst v0  }
0x18e: {  	v0 =	vld [tilespmem:s19+$0xFFFFFFB0];
	_ =	sdelay $0x4  }
0x18f: {  	v0 =	vadd.s32 s8, v0  }
0x190: {  	[tilespmem:s28+$0xFFFFFFE0] =	vst v0  }
0x191: {  	v0 =	vld [tilespmem:s19+$0xFFFFFFC0];
	_ =	sdelay $0x4  }
0x192: {  	v0 =	vadd.s32 s8, v0  }
0x193: {  	[tilespmem:s28+$0xFFFFFFF0] =	vst v0  }
0x194: {  	v0 =	vld [tilespmem:s19+$0xFFFFFFD0];
	_ =	sdelay $0x4  }
0x195: {  	v0 =	vadd.s32 s8, v0  }
0x196: {  	[tilespmem:s28+$0x0] =	vst v0  }
0x197: {  	v0 =	vld [tilespmem:s19+$0xFFFFFFE0];
	_ =	sdelay $0x4  }
0x198: {  	v0 =	vadd.s32 s8, v0  }
0x199: {  	[tilespmem:s28+$0x10] =	vst v0  }
0x19a: {  	v0 =	vld [tilespmem:s19+$0xFFFFFFF0];
	_ =	sdelay $0x4  }
0x19b: {  	v0 =	vadd.s32 s8, v0  }
0x19c: {  	[tilespmem:s28+$0x20] =	vst v0  }
0x19d: {  	v0 =	vld [tilespmem:s19+$0x0];
	_ =	sdelay $0x4  }
0x19e: {  	v0 =	vadd.s32 s8, v0  }
0x19f: {  	s8 =	simm.s32 @!p0 $0x7;
	[tilespmem:s28+$0x30] =	vst v0  }
0x1a0: {  	_ =	swait.ge @!p0 [sflag:s8], $0x4000  }
0x1a1: {  	s9 =	simm.s32 $0x17400;
	[sflag:s8] =	ssyncset.done @!p0 $0x0  }
0x1a2: {  	s19 =	simm.s32 $0x7400;
	[sflag:s8] =	ssyncadd.s32 @!p0 $0xFFFFC000;
	s8 =	simm.s32 $0x800  }
.LBB2_21:
0x1a3: {  	[tilespmem:s9], [sflag:$0x3] =	stream.indirect.gather [hbm4b:s3+s12], $0x1, s19, s12, $0xb8;
	[tilespmem:$0x1B400] =	vst v63  }
0x1a4: {  	s9 =	smov.u32 s8;
	p0 =	sne.s32 s8, $0xF800  }
.Ltmp9:
0x1a5: {  	s8 =	sadd.s32 $0x800, s8;
	(pc) =	sbr.rel @p0 .LBB2_21-.Ltmp9, $3  }
0x1a6: {  	_ =	sdelay $0x1  }
0x1a7: {  	s19 =	sshra.s32 s9, $0x2  }
0x1a8: {  	s9 =	sadd.s32 $0x17400, s19;
	s19 =	sadd.s32 $0x7400, s19  }
0x1a9: {  	[tilespmem:s9], [sflag:$0x3] =	stream.indirect.gather [hbm4b:s3+s12], $0x1, s19, s12, $0xb8;
	[tilespmem:$0x1B400] =	vst v63  }
0x1aa: {  	s7 =	sadd.s32 s7, s6  }
0x1ab: {  	[hbm4b:s7+s12] =	stream.strided.scatter [tilespmem:s17], [sflag:$0x5], $0x4000, s14, s12, $0x38;
	[tilespmem:$0x1B400] =	vst v63  }
0x1ac: {  	_ =	swait.ge [sflag:s13], $0x4000  }
0x1ad: {  	[sflag:s13] =	ssyncset.done $0x0  }
0x1ae: {  	s28 =	sadd.s32 $0x0, s29;
	[sflag:s13] =	ssyncadd.s32 $0xFFFFC000  }
0x1af: {  	s1 =	sshll.u32 s1, $0x5;
	v0 =	vld [tilespmem:s28+$0xFFFFFF90]  }
0x1b0: {  	s7 =	sadd.s32 $0x80, s1  }
0x1b1: {  	s8 =	sadd.s32 $0x0, s7  }
0x1b2: {  	s9 =	smul.u32 $0x186A0, s8;
	_ =	sdelay $0x1  }
0x1b3: {  	s8 =	simm.s32 $0x3440;
	v0 =	vadd.s32 s9, v0  }
0x1b4: {  	[tilespmem:s8+$0xFFFFFFC0] =	vst v0  }
0x1b5: {  	v0 =	vld [tilespmem:s28+$0xFFFFFFA0];
	_ =	sdelay $0x4  }
0x1b6: {  	v0 =	vadd.s32 s9, v0  }
0x1b7: {  	[tilespmem:s8+$0xFFFFFFD0] =	vst v0  }
0x1b8: {  	v0 =	vld [tilespmem:s28+$0xFFFFFFB0];
	_ =	sdelay $0x4  }
0x1b9: {  	v0 =	vadd.s32 s9, v0  }
0x1ba: {  	[tilespmem:s8+$0xFFFFFFE0] =	vst v0  }
0x1bb: {  	v0 =	vld [tilespmem:s28+$0xFFFFFFC0];
	_ =	sdelay $0x4  }
0x1bc: {  	v0 =	vadd.s32 s9, v0  }
0x1bd: {  	[tilespmem:s8+$0xFFFFFFF0] =	vst v0  }
0x1be: {  	v0 =	vld [tilespmem:s28+$0xFFFFFFD0];
	_ =	sdelay $0x4  }
0x1bf: {  	v0 =	vadd.s32 s9, v0  }
0x1c0: {  	[tilespmem:s8+$0x0] =	vst v0  }
0x1c1: {  	v0 =	vld [tilespmem:s28+$0xFFFFFFE0];
	_ =	sdelay $0x4  }
0x1c2: {  	v0 =	vadd.s32 s9, v0  }
0x1c3: {  	[tilespmem:s8+$0x10] =	vst v0  }
0x1c4: {  	v0 =	vld [tilespmem:s28+$0xFFFFFFF0];
	_ =	sdelay $0x4  }
0x1c5: {  	v0 =	vadd.s32 s9, v0  }
0x1c6: {  	[tilespmem:s8+$0x20] =	vst v0  }
0x1c7: {  	v0 =	vld [tilespmem:s28+$0x0];
	_ =	sdelay $0x1  }
0x1c8: {  	s21 =	simm.s32 $0x0;
	s24 =	simm.s32 $0x2;
	s22 =	smov.u32 s29  }
.LBB2_23:
0x1c9: {  	p0 =	sne.s32 s24, $0x7F;
	s19 =	sshll.u32 s21, $0xB  }
0x1ca: {  	s19 =	ssub.s32 $0x0, s19  }
0x1cb: {  	s22 =	sadd.s32 $0x80, s22;
	s19 =	sshra.s32 s19, $0x2;
	v0 =	vadd.s32 s9, v0  }
0x1cc: {  	s19 =	sadd.s32 s19, s22;
	[tilespmem:s8+$0x30] =	vst v0  }
0x1cd: {  	v0 =	vld [tilespmem:s19+$0xFFFFFF90];
	_ =	sdelay $0x1  }
0x1ce: {  	s9 =	sadd.s32 s7, s21  }
0x1cf: {  	s9 =	smul.u32 $0x186A0, s9;
	_ =	sdelay $0x1  }
0x1d0: {  	s8 =	sadd.s32 $0x80, s8;
	v0 =	vadd.s32 s9, v0  }
0x1d1: {  	[tilespmem:s8+$0xFFFFFFC0] =	vst v0  }
0x1d2: {  	v0 =	vld [tilespmem:s19+$0xFFFFFFA0];
	_ =	sdelay $0x4  }
0x1d3: {  	v0 =	vadd.s32 s9, v0  }
0x1d4: {  	[tilespmem:s8+$0xFFFFFFD0] =	vst v0  }
0x1d5: {  	v0 =	vld [tilespmem:s19+$0xFFFFFFB0];
	_ =	sdelay $0x4  }
0x1d6: {  	v0 =	vadd.s32 s9, v0  }
0x1d7: {  	[tilespmem:s8+$0xFFFFFFE0] =	vst v0  }
0x1d8: {  	v0 =	vld [tilespmem:s19+$0xFFFFFFC0];
	_ =	sdelay $0x4  }
0x1d9: {  	v0 =	vadd.s32 s9, v0  }
0x1da: {  	[tilespmem:s8+$0xFFFFFFF0] =	vst v0  }
0x1db: {  	v0 =	vld [tilespmem:s19+$0xFFFFFFD0];
	_ =	sdelay $0x4  }
0x1dc: {  	v0 =	vadd.s32 s9, v0  }
0x1dd: {  	[tilespmem:s8+$0x0] =	vst v0  }
0x1de: {  	v0 =	vld [tilespmem:s19+$0xFFFFFFE0];
	_ =	sdelay $0x4  }
0x1df: {  	v0 =	vadd.s32 s9, v0  }
0x1e0: {  	[tilespmem:s8+$0x10] =	vst v0  }
0x1e1: {  	v0 =	vld [tilespmem:s19+$0xFFFFFFF0];
	_ =	sdelay $0x4  }
.Ltmp10:
0x1e2: {  	v0 =	vadd.s32 s9, v0;
	(pc) =	sbr.rel @p0 .LBB2_23-.Ltmp10, $3  }
0x1e3: {  	[tilespmem:s8+$0x20] =	vst v0  }
0x1e4: {  	v0 =	vld [tilespmem:s19+$0x0];
	_ =	sdelay $0x1  }
0x1e5: {  	s21 =	sshrl.u32 s24, $0x2;
	s24 =	sadd.s32 $0x1, s24  }
0x1e6: {  	s19 =	sshll.u32 s21, $0xB  }
0x1e7: {  	s19 =	ssub.s32 $0x0, s19  }
0x1e8: {  	s24 =	sadd.s32 $0x80, s22;
	s19 =	sshra.s32 s19, $0x2;
	v0 =	vadd.s32 s9, v0  }
0x1e9: {  	s9 =	sadd.s32 s19, s24;
	[tilespmem:s8+$0x30] =	vst v0  }
0x1ea: {  	v0 =	vld [tilespmem:s9+$0xFFFFFF90];
	_ =	sdelay $0x1  }
0x1eb: {  	s7 =	sadd.s32 s7, s21  }
0x1ec: {  	s7 =	smul.u32 $0x186A0, s7;
	_ =	sdelay $0x1  }
0x1ed: {  	s28 =	sadd.s32 $0x80, s8;
	v0 =	vadd.s32 s7, v0  }
0x1ee: {  	[tilespmem:s28+$0xFFFFFFC0] =	vst v0  }
0x1ef: {  	v0 =	vld [tilespmem:s9+$0xFFFFFFA0];
	_ =	sdelay $0x4  }
0x1f0: {  	v0 =	vadd.s32 s7, v0  }
0x1f1: {  	[tilespmem:s28+$0xFFFFFFD0] =	vst v0  }
0x1f2: {  	v0 =	vld [tilespmem:s9+$0xFFFFFFB0];
	_ =	sdelay $0x4  }
0x1f3: {  	v0 =	vadd.s32 s7, v0  }
0x1f4: {  	[tilespmem:s28+$0xFFFFFFE0] =	vst v0  }
0x1f5: {  	v0 =	vld [tilespmem:s9+$0xFFFFFFC0];
	_ =	sdelay $0x4  }
0x1f6: {  	v0 =	vadd.s32 s7, v0  }
0x1f7: {  	[tilespmem:s28+$0xFFFFFFF0] =	vst v0  }
0x1f8: {  	v0 =	vld [tilespmem:s9+$0xFFFFFFD0];
	_ =	sdelay $0x4  }
0x1f9: {  	v0 =	vadd.s32 s7, v0  }
0x1fa: {  	[tilespmem:s28+$0x0] =	vst v0  }
0x1fb: {  	v0 =	vld [tilespmem:s9+$0xFFFFFFE0];
	_ =	sdelay $0x4  }
0x1fc: {  	v0 =	vadd.s32 s7, v0  }
0x1fd: {  	[tilespmem:s28+$0x10] =	vst v0  }
0x1fe: {  	v0 =	vld [tilespmem:s9+$0xFFFFFFF0];
	_ =	sdelay $0x4  }
0x1ff: {  	v0 =	vadd.s32 s7, v0  }
0x200: {  	[tilespmem:s28+$0x20] =	vst v0  }
0x201: {  	v0 =	vld [tilespmem:s9+$0x0];
	_ =	sdelay $0x4  }
0x202: {  	v0 =	vadd.s32 s7, v0  }
0x203: {  	[tilespmem:s28+$0x30] =	vst v0  }
0x204: {  	_ =	swait.ge [sflag:s18], $0x4000  }
0x205: {  	s8 =	simm.s32 $0xB400;
	[sflag:s18] =	ssyncset.done $0x0  }
0x206: {  	s9 =	simm.s32 $0x3400;
	s7 =	simm.s32 $0x800;
	[sflag:s18] =	ssyncadd.s32 $0xFFFFC000  }
.LBB2_25:
0x207: {  	[tilespmem:s8], [sflag:$0x2] =	stream.indirect.gather [hbm4b:s3+s12], $0x1, s9, s12, $0xb8;
	[tilespmem:$0x1B400] =	vst v63  }
0x208: {  	s8 =	smov.u32 s7;
	p0 =	sne.s32 s7, $0xF800  }
.Ltmp11:
0x209: {  	s7 =	sadd.s32 $0x800, s7;
	(pc) =	sbr.rel @p0 .LBB2_25-.Ltmp11, $3  }
0x20a: {  	_ =	sdelay $0x1  }
0x20b: {  	s9 =	sshra.s32 s8, $0x2  }
0x20c: {  	s8 =	sadd.s32 $0xB400, s9;
	s9 =	sadd.s32 $0x3400, s9  }
0x20d: {  	[tilespmem:s8], [sflag:$0x2] =	stream.indirect.gather [hbm4b:s3+s12], $0x1, s9, s12, $0xb8;
	[tilespmem:$0x1B400] =	vst v63  }
0x20e: {  	s7 =	sshll.u32 s31, $0x13  }
0x20f: {  	s7 =	sor.u32 s4, s7  }
0x210: {  	s7 =	sshrl.u32 s7, $0x3  }
0x211: {  	s24 =	simm.s32 $0x13400;
	s7 =	sadd.s32 s5, s7  }
0x212: {  	[hbm4b:s7+s12] =	stream.strided.scatter [tilespmem:s24], [sflag:$0x6], $0x4000, s14, s12, $0x38;
	[tilespmem:$0x1B400] =	vst v63  }
0x213: {  	_ =	swait.ge [sflag:s16], $0x4000  }
0x214: {  	[sflag:s16] =	ssyncset.done $0x0  }
0x215: {  	s28 =	sadd.s32 $0x0, s30;
	[sflag:s16] =	ssyncadd.s32 $0xFFFFC000  }
0x216: {  	v0 =	vld [tilespmem:s28+$0xFFFFFF90]  }
0x217: {  	s1 =	sadd.s32 $0xA0, s1  }
0x218: {  	s31 =	sadd.s32 $0x0, s1  }
0x219: {  	s8 =	smul.u32 $0x186A0, s31;
	_ =	sdelay $0x1  }
0x21a: {  	s7 =	simm.s32 $0x7440;
	v0 =	vadd.s32 s8, v0  }
0x21b: {  	[tilespmem:s7+$0xFFFFFFC0] =	vst v0  }
0x21c: {  	v0 =	vld [tilespmem:s28+$0xFFFFFFA0];
	_ =	sdelay $0x4  }
0x21d: {  	v0 =	vadd.s32 s8, v0  }
0x21e: {  	[tilespmem:s7+$0xFFFFFFD0] =	vst v0  }
0x21f: {  	v0 =	vld [tilespmem:s28+$0xFFFFFFB0];
	_ =	sdelay $0x4  }
0x220: {  	v0 =	vadd.s32 s8, v0  }
0x221: {  	[tilespmem:s7+$0xFFFFFFE0] =	vst v0  }
0x222: {  	v0 =	vld [tilespmem:s28+$0xFFFFFFC0];
	_ =	sdelay $0x4  }
0x223: {  	v0 =	vadd.s32 s8, v0  }
0x224: {  	[tilespmem:s7+$0xFFFFFFF0] =	vst v0  }
0x225: {  	v0 =	vld [tilespmem:s28+$0xFFFFFFD0];
	_ =	sdelay $0x4  }
0x226: {  	v0 =	vadd.s32 s8, v0  }
0x227: {  	[tilespmem:s7+$0x0] =	vst v0  }
0x228: {  	v0 =	vld [tilespmem:s28+$0xFFFFFFE0];
	_ =	sdelay $0x4  }
0x229: {  	v0 =	vadd.s32 s8, v0  }
0x22a: {  	[tilespmem:s7+$0x10] =	vst v0  }
0x22b: {  	v0 =	vld [tilespmem:s28+$0xFFFFFFF0];
	_ =	sdelay $0x4  }
0x22c: {  	v0 =	vadd.s32 s8, v0  }
0x22d: {  	[tilespmem:s7+$0x20] =	vst v0  }
0x22e: {  	v0 =	vld [tilespmem:s28+$0x0];
	_ =	sdelay $0x1  }
0x22f: {  	s21 =	simm.s32 $0x0;
	s22 =	simm.s32 $0x2;
	s9 =	smov.u32 s30  }
.LBB2_27:
0x230: {  	p0 =	sne.s32 s22, $0x7F;
	s19 =	sshll.u32 s21, $0xB  }
0x231: {  	s19 =	ssub.s32 $0x0, s19  }
0x232: {  	s9 =	sadd.s32 $0x80, s9;
	s19 =	sshra.s32 s19, $0x2;
	v0 =	vadd.s32 s8, v0  }
0x233: {  	s19 =	sadd.s32 s19, s9;
	[tilespmem:s7+$0x30] =	vst v0  }
0x234: {  	v0 =	vld [tilespmem:s19+$0xFFFFFF90];
	_ =	sdelay $0x1  }
0x235: {  	s8 =	sadd.s32 s1, s21  }
0x236: {  	s8 =	smul.u32 $0x186A0, s8;
	_ =	sdelay $0x1  }
0x237: {  	s7 =	sadd.s32 $0x80, s7;
	v0 =	vadd.s32 s8, v0  }
0x238: {  	[tilespmem:s7+$0xFFFFFFC0] =	vst v0  }
0x239: {  	v0 =	vld [tilespmem:s19+$0xFFFFFFA0];
	_ =	sdelay $0x4  }
0x23a: {  	v0 =	vadd.s32 s8, v0  }
0x23b: {  	[tilespmem:s7+$0xFFFFFFD0] =	vst v0  }
0x23c: {  	v0 =	vld [tilespmem:s19+$0xFFFFFFB0];
	_ =	sdelay $0x4  }
0x23d: {  	v0 =	vadd.s32 s8, v0  }
0x23e: {  	[tilespmem:s7+$0xFFFFFFE0] =	vst v0  }
0x23f: {  	v0 =	vld [tilespmem:s19+$0xFFFFFFC0];
	_ =	sdelay $0x4  }
0x240: {  	v0 =	vadd.s32 s8, v0  }
0x241: {  	[tilespmem:s7+$0xFFFFFFF0] =	vst v0  }
0x242: {  	v0 =	vld [tilespmem:s19+$0xFFFFFFD0];
	_ =	sdelay $0x4  }
0x243: {  	v0 =	vadd.s32 s8, v0  }
0x244: {  	[tilespmem:s7+$0x0] =	vst v0  }
0x245: {  	v0 =	vld [tilespmem:s19+$0xFFFFFFE0];
	_ =	sdelay $0x4  }
0x246: {  	v0 =	vadd.s32 s8, v0  }
0x247: {  	[tilespmem:s7+$0x10] =	vst v0  }
0x248: {  	v0 =	vld [tilespmem:s19+$0xFFFFFFF0];
	_ =	sdelay $0x4  }
.Ltmp12:
0x249: {  	v0 =	vadd.s32 s8, v0;
	(pc) =	sbr.rel @p0 .LBB2_27-.Ltmp12, $3  }
0x24a: {  	[tilespmem:s7+$0x20] =	vst v0  }
0x24b: {  	v0 =	vld [tilespmem:s19+$0x0];
	_ =	sdelay $0x1  }
0x24c: {  	s21 =	sshrl.u32 s22, $0x2;
	s22 =	sadd.s32 $0x1, s22  }
0x24d: {  	s19 =	sshll.u32 s21, $0xB  }
0x24e: {  	s19 =	ssub.s32 $0x0, s19  }
0x24f: {  	s28 =	sadd.s32 $0x80, s9;
	s19 =	sshra.s32 s19, $0x2;
	v0 =	vadd.s32 s8, v0  }
0x250: {  	s8 =	sadd.s32 s19, s28;
	[tilespmem:s7+$0x30] =	vst v0  }
0x251: {  	v0 =	vld [tilespmem:s8+$0xFFFFFF90];
	_ =	sdelay $0x1  }
0x252: {  	s1 =	sadd.s32 s1, s21  }
0x253: {  	s1 =	smul.u32 $0x186A0, s1;
	_ =	sdelay $0x1  }
0x254: {  	s31 =	sadd.s32 $0x80, s7;
	v0 =	vadd.s32 s1, v0  }
0x255: {  	[tilespmem:s31+$0xFFFFFFC0] =	vst v0  }
0x256: {  	v0 =	vld [tilespmem:s8+$0xFFFFFFA0];
	_ =	sdelay $0x4  }
0x257: {  	v0 =	vadd.s32 s1, v0  }
0x258: {  	[tilespmem:s31+$0xFFFFFFD0] =	vst v0  }
0x259: {  	v0 =	vld [tilespmem:s8+$0xFFFFFFB0];
	_ =	sdelay $0x4  }
0x25a: {  	v0 =	vadd.s32 s1, v0  }
0x25b: {  	[tilespmem:s31+$0xFFFFFFE0] =	vst v0  }
0x25c: {  	v0 =	vld [tilespmem:s8+$0xFFFFFFC0];
	_ =	sdelay $0x4  }
0x25d: {  	v0 =	vadd.s32 s1, v0  }
0x25e: {  	[tilespmem:s31+$0xFFFFFFF0] =	vst v0  }
0x25f: {  	v0 =	vld [tilespmem:s8+$0xFFFFFFD0];
	_ =	sdelay $0x4  }
0x260: {  	v0 =	vadd.s32 s1, v0  }
0x261: {  	[tilespmem:s31+$0x0] =	vst v0  }
0x262: {  	v0 =	vld [tilespmem:s8+$0xFFFFFFE0];
	_ =	sdelay $0x4  }
0x263: {  	v0 =	vadd.s32 s1, v0  }
0x264: {  	[tilespmem:s31+$0x10] =	vst v0  }
0x265: {  	v0 =	vld [tilespmem:s8+$0xFFFFFFF0];
	_ =	sdelay $0x4  }
0x266: {  	v0 =	vadd.s32 s1, v0  }
0x267: {  	[tilespmem:s31+$0x20] =	vst v0  }
0x268: {  	v0 =	vld [tilespmem:s8+$0x0];
	_ =	sdelay $0x4  }
0x269: {  	v0 =	vadd.s32 s1, v0  }
0x26a: {  	[tilespmem:s31+$0x30] =	vst v0  }
0x26b: {  	_ =	swait.ge [sflag:s20], $0x4000  }
0x26c: {  	s7 =	simm.s32 $0xF400;
	[sflag:s20] =	ssyncset.done $0x0  }
0x26d: {  	s8 =	simm.s32 $0x7400;
	s1 =	simm.s32 $0x800;
	[sflag:s20] =	ssyncadd.s32 $0xFFFFC000  }
.LBB2_29:
0x26e: {  	[tilespmem:s7], [sflag:$0x3] =	stream.indirect.gather [hbm4b:s3+s12], $0x1, s8, s12, $0xb8;
	[tilespmem:$0x1B400] =	vst v63  }
0x26f: {  	s7 =	smov.u32 s1;
	p0 =	sne.s32 s1, $0xF800  }
.Ltmp13:
0x270: {  	s1 =	sadd.s32 $0x800, s1;
	(pc) =	sbr.rel @p0 .LBB2_29-.Ltmp13, $3  }
0x271: {  	_ =	sdelay $0x1  }
0x272: {  	s8 =	sshra.s32 s7, $0x2  }
0x273: {  	s7 =	sadd.s32 $0xF400, s8;
	s8 =	sadd.s32 $0x7400, s8  }
0x274: {  	[tilespmem:s7], [sflag:$0x3] =	stream.indirect.gather [hbm4b:s3+s12], $0x1, s8, s12, $0xb8;
	[tilespmem:$0x1B400] =	vst v63  }
0x275: {  	s25 =	sadd.s32 $0x1, s25  }
0x276: {  	p0 =	sne.s32 s25, $0x6  }
.Ltmp14:
0x277: {  	s0 =	sshll.u32 s0, $0x13;
	(pc) =	sbr.rel @p0 .LBB2_14-.Ltmp14, $4  }
0x278: {  	s1 =	simm.s32 $0x17400;
	s0 =	sor.u32 s4, s0  }
0x279: {  	s26 =	sadd.s32 $0x800, s26;
	s23 =	sadd.s32 $0x800, s23;
	s0 =	sshrl.u32 s0, $0x3  }
0x27a: {  	s29 =	sadd.s32 $0x800, s29;
	s30 =	sadd.s32 $0x800, s30;
	s0 =	sadd.s32 s5, s0  }
0x27b: {  	[hbm4b:s0+s12] =	stream.strided.scatter [tilespmem:s1], [sflag:$0x7], $0x4000, s14, s12, $0x38;
	[tilespmem:$0x1B400] =	vst v63  }
0x27c: {  	_ =	swait.ge [sflag:s13], $0x4000  }
0x27d: {  	[sflag:s13] =	ssyncset.done $0x0  }
0x27e: {  	s0 =	rddreg [dreg:$0x3];
	[sflag:s13] =	ssyncadd.s32 $0xFFFFC000  }
0x27f: {  	[hbm4b:s0+s12] =	stream.strided.scatter [tilespmem:s15], [sflag:$0x4], $0x4000, s14, s12, $0x38;
	[tilespmem:$0x1B400] =	vst v63  }
0x280: {  	_ =	swait.ge [sflag:s16], $0x4000  }
0x281: {  	[sflag:s16] =	ssyncset.done $0x0  }
0x282: {  	s29 =	rddreg [dreg:$0x4];
	[sflag:s16] =	ssyncadd.s32 $0xFFFFC000  }
0x283: {  	[hbm4b:s29+s12] =	stream.strided.scatter [tilespmem:s17], [sflag:$0x5], $0x4000, s14, s12, $0x38;
	[tilespmem:$0x1B400] =	vst v63  }
0x284: {  	_ =	swait.ge [sflag:s18], $0x4000  }
0x285: {  	[sflag:s18] =	ssyncset.done $0x0  }
0x286: {  	[sflag:s18] =	ssyncadd.s32 $0xFFFFC000  }
0x287: {  	_ =	swait.ge [sflag:s20], $0x4000  }
0x288: {  	[sflag:s20] =	ssyncset.done $0x0  }
0x289: {  	s30 =	simm.s32 $0x6;
	[sflag:s20] =	ssyncadd.s32 $0xFFFFC000  }
0x28a: {  	_ =	swait.ge [sflag:s30], $0x4000  }
0x28b: {  	[sflag:s30] =	ssyncset.done $0x0  }
0x28c: {  	s1 =	simm.s32 $0x7;
	[sflag:s30] =	ssyncadd.s32 $0xFFFFC000  }
0x28d: {  	_ =	swait.ge [sflag:s1], $0x4000  }
0x28e: {  	s7 =	rddreg [dreg:$0x6]  }
0x28f: {  	s31 =	rddreg [dreg:$0x5];
	s7 =	sadd.s32 $0x1, s7  }
0x290: {  	p0 =	sne.s32 s7, s31  }
.Ltmp15:
0x291: {  	_ = 	snop;
	(pc) =	sbr.rel @p0 .LBB2_1-.Ltmp15, $3  }
0x292: {  	_ =	sdelay $0x1  }
0x293: {  	[sflag:s1] =	ssyncset.done $0x0  }
0x294: {  	[sflag:s1] =	ssyncadd.s32 $0xFFFFC000  }
0x295: {  	_ =	sfence.sel $0x180000  }
0x296: {  	[bflag:$0x0] =	sbarrier.arrive $0xFFFF  }
0x297: {  	_ =	strace $0x90000047  }
0x298: {  	s0 =	stileid.u32;
	[bflag:$0x2] =	sbarrier.arrive $0xFFFF  }
0x299: {  	p0 =	sne.s32 s0, $0x0;
	s0 =	rddreg [dreg:$0x2]  }
0x29a: {  	s0 =	sadd.s32 @!p0 $0x100000, s0  }
0x29b: {  	[sflag:s0] =	ssyncadd.tile.s32 @!p0 $0x1;
	_ =	shalt  }
.Lfunc_end2:
_tile_overlayer_lowered:
.L_overlay_start_2:
0x29c: {  	(tag) =	ssettag $0x2  }
0x29d: {  	s0 =	rddreg [dreg:$0x0];
	s2 =	stileid.u32  }
0x29e: {  	s1 =	rddreg [dreg:$0x1];
	p0 =	sne.s32 s2, $0x0  }
0x29f: {  	s3 =	rddreg [dreg:$0x2];
	[bflag:$0x3] =	sbarrier.arrive $0xFFFF;
	s2 =	simm.s32 @!p0 $0x1C08  }
0x2a0: {  	[timem:s3], [sflag:s2] =	dma.local @!p0 [hbm:s0], s1  }
0x2a1: {  	s0 =	simm.s32 @!p0 $0x8  }
0x2a2: {  	_ =	swait.ge @!p0 [sflag:s0], s1  }
0x2a3: {  	s1 =	ssub.s32 @!p0 $0x0, s1;
	[sflag:s0] =	ssyncset.done @!p0 $0x0  }
0x2a4: {  	[sflag:s0] =	ssyncadd.s32 @!p0 s1  }
0x2a5: {  	[bflag:$0x3] =	sbarrier.arrive $0xFFFF  }
0x2a6: {  	_ =	shalt  }

</sc_bundles>
